<compile_context>
chip_gen: v7x
topology: tpu7x:2x2x1
jax: 0.10.2.dev20260603
libtpu: 0.0.44.dev20260713+nightly
codegen_flags: <defaults>
</compile_context>

<pallas_src>
import dataclasses

import jax
import jax.numpy as jnp
from jax import lax
from jax.experimental import pallas as pl
from jax.experimental.pallas import tpu as pltpu
from jax.experimental.pallas import tpu_sc as plsc

G = 30
H = 12
T = 2048
SPAN_C = 4 * G + 1
REL = (2 * G - 1) * SPAN_C

NUM_CORES = 2
NUM_SUBCORES = 16
NW = NUM_CORES * NUM_SUBCORES
ROWS_PER = T // NW
LANES = 16
CHUNKS = T // LANES
WPAD = 7


def _sc_body(row_hbm, col_hbm, qi_hbm, qj_hbm, tab_hbm, out_hbm,
             tab_v, tab_sh, row_v, col_v, qj_v, qi_v, buf0, buf1,
             sem_in, sem0, sem1):
  cid = lax.axis_index("c")
  sid = lax.axis_index("s")
  wid = sid * NUM_CORES + cid

  @pl.when(sid == 0)
  def _():
    pltpu.async_copy(tab_hbm, tab_sh, sem_in).wait()
  stage = [pltpu.make_async_copy(src, dst, sem_in)
           for src, dst in ((row_hbm, row_v), (col_hbm, col_v),
                            (qj_hbm, qj_v), (qi_hbm, qi_v))]
  for cp_ in stage:
    cp_.start()
  for cp_ in stage:
    cp_.wait()
  plsc.subcore_barrier()
  pltpu.sync_copy(tab_sh, tab_v)

  def fill_and_send(r, buf, sem):
    i = r * NW + wid
    bidx = jnp.zeros((LANES,), jnp.int32) + i
    bri = plsc.load_gather(row_v, [bidx])
    bci = plsc.load_gather(col_v, [bidx])
    bqi = plsc.load_gather(qi_v, [bidx])

    @plsc.parallel_loop(0, CHUNKS, unroll=4)
    def _(c):
      j0 = c * LANES
      rj = row_v[pl.ds(j0, LANES)]
      cj = col_v[pl.ds(j0, LANES)]
      qj = qj_v[pl.ds(j0, LANES)]
      dr = jnp.clip(bri - rj, -(G - 1), G - 1) + (G - 1)
      dc = jnp.clip(bci - cj, -2 * G, 2 * G) + 2 * G
      base = jnp.where(bqi == qj, (dr * SPAN_C + dc) * WPAD, REL * WPAD)
      for p in range(H // 2):
        w = plsc.load_gather(tab_v, [base + p])
        buf[2 * p, pl.ds(c * LANES, LANES)] = plsc.bitcast(
            w << 16, jnp.float32)
        buf[2 * p + 1, pl.ds(c * LANES, LANES)] = plsc.bitcast(
            w & jnp.int32(-65536), jnp.float32)

    pltpu.make_async_copy(buf, out_hbm.at[:, i, :], sem).start()

  def drain(buf, sem):
    pltpu.make_async_copy(buf, out_hbm.at[:, 0, :], sem).wait()

  @pl.loop(0, ROWS_PER, step=2)
  def _(r):
    for d, buf, sem in ((0, buf0, sem0), (1, buf1, sem1)):
      @pl.when(r > 0)
      def _():
        drain(buf, sem)
      fill_and_send(r + d, buf, sem)

  drain(buf0, sem0)
  drain(buf1, sem1)


@jax.jit
def _launch(row, col, qid_i, qid_j, table_flat):
  mesh = plsc.VectorSubcoreMesh(core_axis_name="c", subcore_axis_name="s")
  cp = pltpu.CompilerParams()
  if "needs_layout_passes" in pltpu.CompilerParams.__dataclass_fields__:
    cp = dataclasses.replace(cp, needs_layout_passes=False)
  run = pl.kernel(
      _sc_body,
      compiler_params=cp,
      out_type=jax.ShapeDtypeStruct((H, T, T), jnp.float32),
      mesh=mesh,
      scratch_types=[
          pltpu.VMEM((REL * WPAD + 16,), jnp.int32),
          pltpu.VMEM_SHARED((REL * WPAD + 16,), jnp.int32),
          pltpu.VMEM((T,), jnp.int32),
          pltpu.VMEM((T,), jnp.int32),
          pltpu.VMEM((T,), jnp.int32),
          pltpu.VMEM((T,), jnp.int32),
          pltpu.VMEM((H, T), jnp.float32),
          pltpu.VMEM((H, T), jnp.float32),
          pltpu.SemaphoreType.DMA,
          pltpu.SemaphoreType.DMA,
          pltpu.SemaphoreType.DMA,
      ],
  )
  return run(row, col, qid_i, qid_j, table_flat)


def kernel(demo_row, demo_col, demo_id, is_sep, bias_weight):
  row = demo_row.astype(jnp.int32)
  col = demo_col.astype(jnp.int32)
  did = demo_id.astype(jnp.int32)
  invalid = is_sep | (did < 0)
  qid_j = jnp.where(invalid, -1, did)
  qid_i = jnp.where(invalid, -2, did)
  wb = jax.lax.bitcast_convert_type(
      bias_weight.astype(jnp.bfloat16), jnp.uint16).astype(jnp.uint32)
  words = wb[:, 0::2] | (wb[:, 1::2] << 16)
  words = jnp.pad(words, ((0, 0), (0, WPAD - H // 2)))
  table_flat = jax.lax.bitcast_convert_type(
      jnp.concatenate(
          [words.reshape(REL * WPAD), jnp.zeros((16,), jnp.uint32)]),
      jnp.int32)
  return _launch(row, col, qid_i, qid_j, table_flat)

# --- scband reference (transcript-rebuilt; emitter-appended) ---
"""Pipeline reference for scband-rel-pos-bias2-dwithin-demo-68478958567575 (READ-ONLY COPY).

The authoritative reference and input builder live on the scoring server;
editing this copy changes nothing except your own understanding.
"""

import jax, jax.numpy as jnp
import numpy as np

G = 30
H = 12
T = 2048
SPAN_R = 2 * G - 1
SPAN_C = 4 * G + 1
REL = SPAN_R * SPAN_C


def setup_inputs(seed: int = 0) -> dict:
    key = jax.random.key(seed)
    k1, k2, k3, k4 = jax.random.split(key, 4)
    demo_row = jax.random.randint(k1, (T,), 0, G)
    demo_col = jax.random.randint(k2, (T,), 0, 61)
    demo_id = jax.random.randint(k3, (T,), 0, 8)
    is_sep = jnp.zeros((T,), dtype=bool)
    bias_weight = jax.random.normal(k4, (REL, H), dtype=jnp.float32) * 0.02
    return {
        "demo_row": demo_row,
        "demo_col": demo_col,
        "demo_id": demo_id,
        "is_sep": is_sep,
        "bias_weight": bias_weight,
    }


def reference(demo_row, demo_col, demo_id, is_sep, bias_weight):
    dr = jnp.clip(demo_row[:, None] - demo_row[None, :], -(G - 1), G - 1) + (G - 1)
    dc = jnp.clip(demo_col[:, None] - demo_col[None, :], -(2 * G), 2 * G) + 2 * G
    idx = (dr * SPAN_C + dc).astype(jnp.int32)
    valid = ~is_sep
    same_demo = (demo_id[:, None] == demo_id[None, :]) & (demo_id[:, None] >= 0) & (demo_id[None, :] >= 0)
    valid_pair = (valid[:, None] & valid[None, :] & same_demo).astype(jnp.float32)
    b = jnp.take(bias_weight, idx.reshape(-1), axis=0).reshape(T, T, H).transpose(2, 0, 1)
    return b * valid_pair[None, :, :]

if __name__ == "__main__":
    import jax
    _d = setup_inputs()
    print(jax.jit(kernel)(*tuple(_d.values())))

</pallas_src>

<mosaic_0001>
#map = affine_map<(d0, d1) -> (0)>
#map1 = affine_map<(d0, d1) -> (0, 0, 0)>
module attributes {stable_mosaic.version = 14 : i64} {
  func.func @_sc_body(%arg0: i32, %arg1: i32, %arg2: memref<2048xi32, #tpu.memory_space<hbm>>, %arg3: memref<2048xi32, #tpu.memory_space<hbm>>, %arg4: memref<2048xi32, #tpu.memory_space<hbm>>, %arg5: memref<2048xi32, #tpu.memory_space<hbm>>, %arg6: memref<49989xi32, #tpu.memory_space<hbm>>, %arg7: memref<12x2048x2048xf32, #tpu.memory_space<hbm>>, %arg8: memref<49989xi32, #tpu.memory_space<vmem>>, %arg9: memref<49989xi32, #tpu.memory_space<vmem_shared>>, %arg10: memref<2048xi32, #tpu.memory_space<vmem>>, %arg11: memref<2048xi32, #tpu.memory_space<vmem>>, %arg12: memref<2048xi32, #tpu.memory_space<vmem>>, %arg13: memref<2048xi32, #tpu.memory_space<vmem>>, %arg14: memref<12x2048xf32, #tpu.memory_space<vmem>>, %arg15: memref<12x2048xf32, #tpu.memory_space<vmem>>, %arg16: memref<!tpu.dma_semaphore, #tpu.memory_space<semaphore_mem>>, %arg17: memref<!tpu.dma_semaphore, #tpu.memory_space<semaphore_mem>>, %arg18: memref<!tpu.dma_semaphore, #tpu.memory_space<semaphore_mem>>) attributes {dimension_semantics = [#tpu.dimension_semantics<core_parallel>, #tpu.dimension_semantics<subcore_parallel>], iteration_bounds = array<i64: 2, 16>, scalar_prefetch = 0 : i64, scratch_operands = 11 : i64, tpu.core_type = #tpu.core_type<sc_vector_subcore>, window_params = [{transform_indices = #map}, {transform_indices = #map}, {transform_indices = #map}, {transform_indices = #map}, {transform_indices = #map}, {transform_indices = #map1}]} {
    %mul3A = arith.constant 2 : i32
    %mul3A_0 = arith.muli %arg1, %mul3A : i32
    %add3A = arith.addi %mul3A_0, %arg0 : i32
    %eq3A = arith.constant 0 : i32
    %eq3A_1 = arith.cmpi eq, %arg1, %eq3A : i32
    %convert_element_type3A = arith.extui %eq3A_1 : i1 to i32
    %cond3A = arith.constant 0 : i32
    %cond3A_2 = arith.cmpi ne, %convert_element_type3A, %cond3A : i32
    scf.if %cond3A_2 {
      tpu.enqueue_dma source(%arg6 : memref<49989xi32, #tpu.memory_space<hbm>>) target(%arg9 : memref<49989xi32, #tpu.memory_space<vmem_shared>>) target_semaphore(%arg16 : memref<!tpu.dma_semaphore, #tpu.memory_space<semaphore_mem>>)
      tpu.wait_dma2 semaphore(%arg16 : memref<!tpu.dma_semaphore, #tpu.memory_space<semaphore_mem>>) src(%arg6 : memref<49989xi32, #tpu.memory_space<hbm>>) dst(%arg9 : memref<49989xi32, #tpu.memory_space<vmem_shared>>)
    } else {
    }
    tpu.enqueue_dma source(%arg2 : memref<2048xi32, #tpu.memory_space<hbm>>) target(%arg10 : memref<2048xi32, #tpu.memory_space<vmem>>) target_semaphore(%arg16 : memref<!tpu.dma_semaphore, #tpu.memory_space<semaphore_mem>>)
    tpu.enqueue_dma source(%arg3 : memref<2048xi32, #tpu.memory_space<hbm>>) target(%arg11 : memref<2048xi32, #tpu.memory_space<vmem>>) target_semaphore(%arg16 : memref<!tpu.dma_semaphore, #tpu.memory_space<semaphore_mem>>)
    tpu.enqueue_dma source(%arg5 : memref<2048xi32, #tpu.memory_space<hbm>>) target(%arg12 : memref<2048xi32, #tpu.memory_space<vmem>>) target_semaphore(%arg16 : memref<!tpu.dma_semaphore, #tpu.memory_space<semaphore_mem>>)
    tpu.enqueue_dma source(%arg4 : memref<2048xi32, #tpu.memory_space<hbm>>) target(%arg13 : memref<2048xi32, #tpu.memory_space<vmem>>) target_semaphore(%arg16 : memref<!tpu.dma_semaphore, #tpu.memory_space<semaphore_mem>>)
    tpu.wait_dma2 semaphore(%arg16 : memref<!tpu.dma_semaphore, #tpu.memory_space<semaphore_mem>>) src(%arg2 : memref<2048xi32, #tpu.memory_space<hbm>>) dst(%arg10 : memref<2048xi32, #tpu.memory_space<vmem>>)
    tpu.wait_dma2 semaphore(%arg16 : memref<!tpu.dma_semaphore, #tpu.memory_space<semaphore_mem>>) src(%arg3 : memref<2048xi32, #tpu.memory_space<hbm>>) dst(%arg11 : memref<2048xi32, #tpu.memory_space<vmem>>)
    tpu.wait_dma2 semaphore(%arg16 : memref<!tpu.dma_semaphore, #tpu.memory_space<semaphore_mem>>) src(%arg5 : memref<2048xi32, #tpu.memory_space<hbm>>) dst(%arg12 : memref<2048xi32, #tpu.memory_space<vmem>>)
    tpu.wait_dma2 semaphore(%arg16 : memref<!tpu.dma_semaphore, #tpu.memory_space<semaphore_mem>>) src(%arg4 : memref<2048xi32, #tpu.memory_space<hbm>>) dst(%arg13 : memref<2048xi32, #tpu.memory_space<vmem>>)
    %barrier3A = arith.constant 0 : index
    tpu.barrier barrier_id(%barrier3A)
    "tpu.region"() ({
      %run_scoped3A = tpu.sem_alloc : memref<!tpu.dma_semaphore, #tpu.memory_space<semaphore_mem>>
      tpu.enqueue_dma source(%arg9 : memref<49989xi32, #tpu.memory_space<vmem_shared>>) target(%arg8 : memref<49989xi32, #tpu.memory_space<vmem>>) target_semaphore(%run_scoped3A : memref<!tpu.dma_semaphore, #tpu.memory_space<semaphore_mem>>)
      tpu.wait_dma2 semaphore(%run_scoped3A : memref<!tpu.dma_semaphore, #tpu.memory_space<semaphore_mem>>) src(%arg9 : memref<49989xi32, #tpu.memory_space<vmem_shared>>) dst(%arg8 : memref<49989xi32, #tpu.memory_space<vmem>>)
      tpu.yield
    }) : () -> ()
    %scan3A = arith.constant 0 : i32
    %scan3A_3 = arith.constant 32 : i32
    %scan3A_4 = arith.addi %scan3A, %scan3A_3 : i32
    %scan3A_5 = arith.constant 1 : i32
    scf.for %scan3A_24 = %scan3A to %scan3A_4 step %scan3A_5  : i32 {
      %mul3A_25 = arith.constant 2 : i32
      %mul3A_26 = arith.muli %scan3A_24, %mul3A_25 : i32
      %add3A_27 = arith.constant 0 : i32
      %add3A_28 = arith.addi %add3A_27, %mul3A_26 : i32
      %gt3A = arith.constant 0 : i32
      %gt3A_29 = arith.cmpi sgt, %add3A_28, %gt3A : i32
      %convert_element_type3A_30 = arith.extui %gt3A_29 : i1 to i32
      %cond3A_31 = arith.constant 0 : i32
      %cond3A_32 = arith.cmpi ne, %convert_element_type3A_30, %cond3A_31 : i32
      scf.if %cond3A_32 {
        %dma_wait3A_80 = arith.constant 0 : i32
        %dma_wait3A_81 = arith.constant 0 : i32
        %dma_wait3A_82 = arith.constant 0 : i32
        %dma_wait3A_83 = tpu.memref_slice %arg7[%dma_wait3A_81, %dma_wait3A_80, %dma_wait3A_82] : memref<12x2048x2048xf32, #tpu.memory_space<hbm>> -> memref<12x1x2048xf32, #tpu.memory_space<hbm>>
        %dma_wait3A_84 = tpu.memref_squeeze %dma_wait3A_83 : memref<12x1x2048xf32, #tpu.memory_space<hbm>> -> memref<12x2048xf32, #tpu.memory_space<hbm>>
        %dma_wait3A_85 = arith.constant 0 : i32
        %dma_wait3A_86 = arith.constant 0 : i32
        %dma_wait3A_87 = tpu.memref_slice %arg7[%dma_wait3A_85, %dma_wait3A_80, %dma_wait3A_86] : memref<12x2048x2048xf32, #tpu.memory_space<hbm>> -> memref<12x1x2048xf32, #tpu.memory_space<hbm>>
        %dma_wait3A_88 = tpu.memref_squeeze %dma_wait3A_87 : memref<12x1x2048xf32, #tpu.memory_space<hbm>> -> memref<12x2048xf32, #tpu.memory_space<hbm>>
        tpu.wait_dma2 semaphore(%arg17 : memref<!tpu.dma_semaphore, #tpu.memory_space<semaphore_mem>>) src(%arg14 : memref<12x2048xf32, #tpu.memory_space<vmem>>) dst(%dma_wait3A_88 : memref<12x2048xf32, #tpu.memory_space<hbm>>)
      } else {
      }
      %add3A_33 = arith.constant 0 : i32
      %add3A_34 = arith.addi %add3A_28, %add3A_33 : i32
      %mul3A_35 = arith.constant 32 : i32
      %mul3A_36 = arith.muli %add3A_34, %mul3A_35 : i32
      %add3A_37 = arith.addi %mul3A_36, %add3A : i32
      %broadcast_in_dim3A = arith.constant 0 : i32
      %broadcast_in_dim3A_38 = vector.broadcast %broadcast_in_dim3A : i32 to vector<16xi32>
      %add3A_39 = vector.broadcast %add3A_37 : i32 to vector<16xi32>
      %add3A_40 = arith.addi %broadcast_in_dim3A_38, %add3A_39 : vector<16xi32>
      %gather3A = tpu.vector_load_idx %arg10[%add3A_40] : memref<2048xi32, #tpu.memory_space<vmem>>[vector<16xi32>], vector<16xi32>,
      %gather3A_41 = tpu.vector_load_idx %arg11[%add3A_40] : memref<2048xi32, #tpu.memory_space<vmem>>[vector<16xi32>], vector<16xi32>,
      %gather3A_42 = tpu.vector_load_idx %arg13[%add3A_40] : memref<2048xi32, #tpu.memory_space<vmem>>[vector<16xi32>], vector<16xi32>,
      %parallel_loop3A = arith.constant 0 : i32
      %parallel_loop3A_43 = arith.constant 128 : i32
      %parallel_loop3A_44 = arith.constant 1 : i32
      scf.for %parallel_loop3A_80 = %parallel_loop3A to %parallel_loop3A_43 step %parallel_loop3A_44  : i32 {
        %parallel_loop3A_81 = arith.constant 16 : i32
        %parallel_loop3A_82 = arith.muli %parallel_loop3A_80, %parallel_loop3A_81 : i32
        %parallel_loop3A_83 = arith.index_cast %parallel_loop3A_82 : i32 to index
        %parallel_loop3A_84 = tpu.vector_load %arg10[%parallel_loop3A_83] {strides = array<i32>} : memref<2048xi32, #tpu.memory_space<vmem>>, vector<16xi32>,
        %parallel_loop3A_85 = arith.index_cast %parallel_loop3A_82 : i32 to index
        %parallel_loop3A_86 = tpu.vector_load %arg11[%parallel_loop3A_85] {strides = array<i32>} : memref<2048xi32, #tpu.memory_space<vmem>>, vector<16xi32>,
        %parallel_loop3A_87 = arith.index_cast %parallel_loop3A_82 : i32 to index
        %parallel_loop3A_88 = tpu.vector_load %arg12[%parallel_loop3A_87] {strides = array<i32>} : memref<2048xi32, #tpu.memory_space<vmem>>, vector<16xi32>,
        %parallel_loop3A_89 = arith.subi %gather3A, %parallel_loop3A_84 : vector<16xi32>
        %parallel_loop3A_90 = arith.constant -29 : i32
        %parallel_loop3A_91 = arith.constant 29 : i32
        %parallel_loop3A_92 = vector.broadcast %parallel_loop3A_90 : i32 to vector<16xi32>
        %parallel_loop3A_93 = arith.maxsi %parallel_loop3A_92, %parallel_loop3A_89 : vector<16xi32>
        %parallel_loop3A_94 = vector.broadcast %parallel_loop3A_91 : i32 to vector<16xi32>
        %parallel_loop3A_95 = arith.minsi %parallel_loop3A_94, %parallel_loop3A_93 : vector<16xi32>
        %parallel_loop3A_96 = arith.constant 29 : i32
        %parallel_loop3A_97 = vector.broadcast %parallel_loop3A_96 : i32 to vector<16xi32>
        %parallel_loop3A_98 = arith.addi %parallel_loop3A_95, %parallel_loop3A_97 : vector<16xi32>
        %parallel_loop3A_99 = arith.subi %gather3A_41, %parallel_loop3A_86 : vector<16xi32>
        %parallel_loop3A_100 = arith.constant -60 : i32
        %parallel_loop3A_101 = arith.constant 60 : i32
        %parallel_loop3A_102 = vector.broadcast %parallel_loop3A_100 : i32 to vector<16xi32>
        %parallel_loop3A_103 = arith.maxsi %parallel_loop3A_102, %parallel_loop3A_99 : vector<16xi32>
        %parallel_loop3A_104 = vector.broadcast %parallel_loop3A_101 : i32 to vector<16xi32>
        %parallel_loop3A_105 = arith.minsi %parallel_loop3A_104, %parallel_loop3A_103 : vector<16xi32>
        %parallel_loop3A_106 = arith.constant 60 : i32
        %parallel_loop3A_107 = vector.broadcast %parallel_loop3A_106 : i32 to vector<16xi32>
        %parallel_loop3A_108 = arith.addi %parallel_loop3A_105, %parallel_loop3A_107 : vector<16xi32>
        %parallel_loop3A_109 = arith.cmpi eq, %gather3A_42, %parallel_loop3A_88 : vector<16xi32>
        %parallel_loop3A_110 = arith.constant 121 : i32
        %parallel_loop3A_111 = vector.broadcast %parallel_loop3A_110 : i32 to vector<16xi32>
        %parallel_loop3A_112 = arith.muli %parallel_loop3A_98, %parallel_loop3A_111 : vector<16xi32>
        %parallel_loop3A_113 = arith.addi %parallel_loop3A_112, %parallel_loop3A_108 : vector<16xi32>
        %parallel_loop3A_114 = arith.constant 7 : i32
        %parallel_loop3A_115 = vector.broadcast %parallel_loop3A_114 : i32 to vector<16xi32>
        %parallel_loop3A_116 = arith.muli %parallel_loop3A_113, %parallel_loop3A_115 : vector<16xi32>
        %parallel_loop3A_117 = arith.constant 49973 : i32
        %parallel_loop3A_118 = vector.broadcast %parallel_loop3A_117 : i32 to vector<16xi32>
        %parallel_loop3A_119 = arith.select %parallel_loop3A_109, %parallel_loop3A_116, %parallel_loop3A_118 : vector<16xi1>, vector<16xi32>
        %parallel_loop3A_120 = arith.constant 0 : i32
        %parallel_loop3A_121 = vector.broadcast %parallel_loop3A_120 : i32 to vector<16xi32>
        %parallel_loop3A_122 = arith.addi %parallel_loop3A_119, %parallel_loop3A_121 : vector<16xi32>
        %parallel_loop3A_123 = tpu.vector_load_idx %arg8[%parallel_loop3A_122] : memref<49989xi32, #tpu.memory_space<vmem>>[vector<16xi32>], vector<16xi32>,
        %parallel_loop3A_124 = arith.constant 16 : i32
        %parallel_loop3A_125 = vector.broadcast %parallel_loop3A_124 : i32 to vector<16xi32>
        %parallel_loop3A_126 = arith.shli %parallel_loop3A_123, %parallel_loop3A_125 : vector<16xi32>
        %parallel_loop3A_127 = vector.bitcast %parallel_loop3A_126 : vector<16xi32> to vector<16xf32>
        %parallel_loop3A_128 = arith.constant 16 : i32
        %parallel_loop3A_129 = arith.muli %parallel_loop3A_80, %parallel_loop3A_128 : i32
        %parallel_loop3A_130 = arith.constant 0 : i32
        %parallel_loop3A_131 = arith.index_cast %parallel_loop3A_130 : i32 to index
        %parallel_loop3A_132 = arith.index_cast %parallel_loop3A_129 : i32 to index
        %parallel_loop3A_133 = tpu.vector_load %arg14[%parallel_loop3A_131, %parallel_loop3A_132] {strides = array<i32>} : memref<12x2048xf32, #tpu.memory_space<vmem>>, vector<16xf32>,
        tpu.vector_store %arg14[%parallel_loop3A_131, %parallel_loop3A_132], %parallel_loop3A_127 {strides = array<i32>} : memref<12x2048xf32, #tpu.memory_space<vmem>>, vector<16xf32>,
        %parallel_loop3A_134 = arith.constant -65536 : i32
        %parallel_loop3A_135 = vector.broadcast %parallel_loop3A_134 : i32 to vector<16xi32>
        %parallel_loop3A_136 = arith.andi %parallel_loop3A_123, %parallel_loop3A_135 : vector<16xi32>
        %parallel_loop3A_137 = vector.bitcast %parallel_loop3A_136 : vector<16xi32> to vector<16xf32>
        %parallel_loop3A_138 = arith.constant 16 : i32
        %parallel_loop3A_139 = arith.muli %parallel_loop3A_80, %parallel_loop3A_138 : i32
        %parallel_loop3A_140 = arith.constant 1 : i32
        %parallel_loop3A_141 = arith.index_cast %parallel_loop3A_140 : i32 to index
        %parallel_loop3A_142 = arith.index_cast %parallel_loop3A_139 : i32 to index
        %parallel_loop3A_143 = tpu.vector_load %arg14[%parallel_loop3A_141, %parallel_loop3A_142] {strides = array<i32>} : memref<12x2048xf32, #tpu.memory_space<vmem>>, vector<16xf32>,
        tpu.vector_store %arg14[%parallel_loop3A_141, %parallel_loop3A_142], %parallel_loop3A_137 {strides = array<i32>} : memref<12x2048xf32, #tpu.memory_space<vmem>>, vector<16xf32>,
        %parallel_loop3A_144 = arith.constant 1 : i32
        %parallel_loop3A_145 = vector.broadcast %parallel_loop3A_144 : i32 to vector<16xi32>
        %parallel_loop3A_146 = arith.addi %parallel_loop3A_119, %parallel_loop3A_145 : vector<16xi32>
        %parallel_loop3A_147 = tpu.vector_load_idx %arg8[%parallel_loop3A_146] : memref<49989xi32, #tpu.memory_space<vmem>>[vector<16xi32>], vector<16xi32>,
        %parallel_loop3A_148 = arith.constant 16 : i32
        %parallel_loop3A_149 = vector.broadcast %parallel_loop3A_148 : i32 to vector<16xi32>
        %parallel_loop3A_150 = arith.shli %parallel_loop3A_147, %parallel_loop3A_149 : vector<16xi32>
        %parallel_loop3A_151 = vector.bitcast %parallel_loop3A_150 : vector<16xi32> to vector<16xf32>
        %parallel_loop3A_152 = arith.constant 16 : i32
        %parallel_loop3A_153 = arith.muli %parallel_loop3A_80, %parallel_loop3A_152 : i32
        %parallel_loop3A_154 = arith.constant 2 : i32
        %parallel_loop3A_155 = arith.index_cast %parallel_loop3A_154 : i32 to index
        %parallel_loop3A_156 = arith.index_cast %parallel_loop3A_153 : i32 to index
        %parallel_loop3A_157 = tpu.vector_load %arg14[%parallel_loop3A_155, %parallel_loop3A_156] {strides = array<i32>} : memref<12x2048xf32, #tpu.memory_space<vmem>>, vector<16xf32>,
        tpu.vector_store %arg14[%parallel_loop3A_155, %parallel_loop3A_156], %parallel_loop3A_151 {strides = array<i32>} : memref<12x2048xf32, #tpu.memory_space<vmem>>, vector<16xf32>,
        %parallel_loop3A_158 = arith.constant -65536 : i32
        %parallel_loop3A_159 = vector.broadcast %parallel_loop3A_158 : i32 to vector<16xi32>
        %parallel_loop3A_160 = arith.andi %parallel_loop3A_147, %parallel_loop3A_159 : vector<16xi32>
        %parallel_loop3A_161 = vector.bitcast %parallel_loop3A_160 : vector<16xi32> to vector<16xf32>
        %parallel_loop3A_162 = arith.constant 16 : i32
        %parallel_loop3A_163 = arith.muli %parallel_loop3A_80, %parallel_loop3A_162 : i32
        %parallel_loop3A_164 = arith.constant 3 : i32
        %parallel_loop3A_165 = arith.index_cast %parallel_loop3A_164 : i32 to index
        %parallel_loop3A_166 = arith.index_cast %parallel_loop3A_163 : i32 to index
        %parallel_loop3A_167 = tpu.vector_load %arg14[%parallel_loop3A_165, %parallel_loop3A_166] {strides = array<i32>} : memref<12x2048xf32, #tpu.memory_space<vmem>>, vector<16xf32>,
        tpu.vector_store %arg14[%parallel_loop3A_165, %parallel_loop3A_166], %parallel_loop3A_161 {strides = array<i32>} : memref<12x2048xf32, #tpu.memory_space<vmem>>, vector<16xf32>,
        %parallel_loop3A_168 = arith.constant 2 : i32
        %parallel_loop3A_169 = vector.broadcast %parallel_loop3A_168 : i32 to vector<16xi32>
        %parallel_loop3A_170 = arith.addi %parallel_loop3A_119, %parallel_loop3A_169 : vector<16xi32>
        %parallel_loop3A_171 = tpu.vector_load_idx %arg8[%parallel_loop3A_170] : memref<49989xi32, #tpu.memory_space<vmem>>[vector<16xi32>], vector<16xi32>,
        %parallel_loop3A_172 = arith.constant 16 : i32
        %parallel_loop3A_173 = vector.broadcast %parallel_loop3A_172 : i32 to vector<16xi32>
        %parallel_loop3A_174 = arith.shli %parallel_loop3A_171, %parallel_loop3A_173 : vector<16xi32>
        %parallel_loop3A_175 = vector.bitcast %parallel_loop3A_174 : vector<16xi32> to vector<16xf32>
        %parallel_loop3A_176 = arith.constant 16 : i32
        %parallel_loop3A_177 = arith.muli %parallel_loop3A_80, %parallel_loop3A_176 : i32
        %parallel_loop3A_178 = arith.constant 4 : i32
        %parallel_loop3A_179 = arith.index_cast %parallel_loop3A_178 : i32 to index
        %parallel_loop3A_180 = arith.index_cast %parallel_loop3A_177 : i32 to index
        %parallel_loop3A_181 = tpu.vector_load %arg14[%parallel_loop3A_179, %parallel_loop3A_180] {strides = array<i32>} : memref<12x2048xf32, #tpu.memory_space<vmem>>, vector<16xf32>,
        tpu.vector_store %arg14[%parallel_loop3A_179, %parallel_loop3A_180], %parallel_loop3A_175 {strides = array<i32>} : memref<12x2048xf32, #tpu.memory_space<vmem>>, vector<16xf32>,
        %parallel_loop3A_182 = arith.constant -65536 : i32
        %parallel_loop3A_183 = vector.broadcast %parallel_loop3A_182 : i32 to vector<16xi32>
        %parallel_loop3A_184 = arith.andi %parallel_loop3A_171, %parallel_loop3A_183 : vector<16xi32>
        %parallel_loop3A_185 = vector.bitcast %parallel_loop3A_184 : vector<16xi32> to vector<16xf32>
        %parallel_loop3A_186 = arith.constant 16 : i32
        %parallel_loop3A_187 = arith.muli %parallel_loop3A_80, %parallel_loop3A_186 : i32
        %parallel_loop3A_188 = arith.constant 5 : i32
        %parallel_loop3A_189 = arith.index_cast %parallel_loop3A_188 : i32 to index
        %parallel_loop3A_190 = arith.index_cast %parallel_loop3A_187 : i32 to index
        %parallel_loop3A_191 = tpu.vector_load %arg14[%parallel_loop3A_189, %parallel_loop3A_190] {strides = array<i32>} : memref<12x2048xf32, #tpu.memory_space<vmem>>, vector<16xf32>,
        tpu.vector_store %arg14[%parallel_loop3A_189, %parallel_loop3A_190], %parallel_loop3A_185 {strides = array<i32>} : memref<12x2048xf32, #tpu.memory_space<vmem>>, vector<16xf32>,
        %parallel_loop3A_192 = arith.constant 3 : i32
        %parallel_loop3A_193 = vector.broadcast %parallel_loop3A_192 : i32 to vector<16xi32>
        %parallel_loop3A_194 = arith.addi %parallel_loop3A_119, %parallel_loop3A_193 : vector<16xi32>
        %parallel_loop3A_195 = tpu.vector_load_idx %arg8[%parallel_loop3A_194] : memref<49989xi32, #tpu.memory_space<vmem>>[vector<16xi32>], vector<16xi32>,
        %parallel_loop3A_196 = arith.constant 16 : i32
        %parallel_loop3A_197 = vector.broadcast %parallel_loop3A_196 : i32 to vector<16xi32>
        %parallel_loop3A_198 = arith.shli %parallel_loop3A_195, %parallel_loop3A_197 : vector<16xi32>
        %parallel_loop3A_199 = vector.bitcast %parallel_loop3A_198 : vector<16xi32> to vector<16xf32>
        %parallel_loop3A_200 = arith.constant 16 : i32
        %parallel_loop3A_201 = arith.muli %parallel_loop3A_80, %parallel_loop3A_200 : i32
        %parallel_loop3A_202 = arith.constant 6 : i32
        %parallel_loop3A_203 = arith.index_cast %parallel_loop3A_202 : i32 to index
        %parallel_loop3A_204 = arith.index_cast %parallel_loop3A_201 : i32 to index
        %parallel_loop3A_205 = tpu.vector_load %arg14[%parallel_loop3A_203, %parallel_loop3A_204] {strides = array<i32>} : memref<12x2048xf32, #tpu.memory_space<vmem>>, vector<16xf32>,
        tpu.vector_store %arg14[%parallel_loop3A_203, %parallel_loop3A_204], %parallel_loop3A_199 {strides = array<i32>} : memref<12x2048xf32, #tpu.memory_space<vmem>>, vector<16xf32>,
        %parallel_loop3A_206 = arith.constant -65536 : i32
        %parallel_loop3A_207 = vector.broadcast %parallel_loop3A_206 : i32 to vector<16xi32>
        %parallel_loop3A_208 = arith.andi %parallel_loop3A_195, %parallel_loop3A_207 : vector<16xi32>
        %parallel_loop3A_209 = vector.bitcast %parallel_loop3A_208 : vector<16xi32> to vector<16xf32>
        %parallel_loop3A_210 = arith.constant 16 : i32
        %parallel_loop3A_211 = arith.muli %parallel_loop3A_80, %parallel_loop3A_210 : i32
        %parallel_loop3A_212 = arith.constant 7 : i32
        %parallel_loop3A_213 = arith.index_cast %parallel_loop3A_212 : i32 to index
        %parallel_loop3A_214 = arith.index_cast %parallel_loop3A_211 : i32 to index
        %parallel_loop3A_215 = tpu.vector_load %arg14[%parallel_loop3A_213, %parallel_loop3A_214] {strides = array<i32>} : memref<12x2048xf32, #tpu.memory_space<vmem>>, vector<16xf32>,
        tpu.vector_store %arg14[%parallel_loop3A_213, %parallel_loop3A_214], %parallel_loop3A_209 {strides = array<i32>} : memref<12x2048xf32, #tpu.memory_space<vmem>>, vector<16xf32>,
        %parallel_loop3A_216 = arith.constant 4 : i32
        %parallel_loop3A_217 = vector.broadcast %parallel_loop3A_216 : i32 to vector<16xi32>
        %parallel_loop3A_218 = arith.addi %parallel_loop3A_119, %parallel_loop3A_217 : vector<16xi32>
        %parallel_loop3A_219 = tpu.vector_load_idx %arg8[%parallel_loop3A_218] : memref<49989xi32, #tpu.memory_space<vmem>>[vector<16xi32>], vector<16xi32>,
        %parallel_loop3A_220 = arith.constant 16 : i32
        %parallel_loop3A_221 = vector.broadcast %parallel_loop3A_220 : i32 to vector<16xi32>
        %parallel_loop3A_222 = arith.shli %parallel_loop3A_219, %parallel_loop3A_221 : vector<16xi32>
        %parallel_loop3A_223 = vector.bitcast %parallel_loop3A_222 : vector<16xi32> to vector<16xf32>
        %parallel_loop3A_224 = arith.constant 16 : i32
        %parallel_loop3A_225 = arith.muli %parallel_loop3A_80, %parallel_loop3A_224 : i32
        %parallel_loop3A_226 = arith.constant 8 : i32
        %parallel_loop3A_227 = arith.index_cast %parallel_loop3A_226 : i32 to index
        %parallel_loop3A_228 = arith.index_cast %parallel_loop3A_225 : i32 to index
        %parallel_loop3A_229 = tpu.vector_load %arg14[%parallel_loop3A_227, %parallel_loop3A_228] {strides = array<i32>} : memref<12x2048xf32, #tpu.memory_space<vmem>>, vector<16xf32>,
        tpu.vector_store %arg14[%parallel_loop3A_227, %parallel_loop3A_228], %parallel_loop3A_223 {strides = array<i32>} : memref<12x2048xf32, #tpu.memory_space<vmem>>, vector<16xf32>,
        %parallel_loop3A_230 = arith.constant -65536 : i32
        %parallel_loop3A_231 = vector.broadcast %parallel_loop3A_230 : i32 to vector<16xi32>
        %parallel_loop3A_232 = arith.andi %parallel_loop3A_219, %parallel_loop3A_231 : vector<16xi32>
        %parallel_loop3A_233 = vector.bitcast %parallel_loop3A_232 : vector<16xi32> to vector<16xf32>
        %parallel_loop3A_234 = arith.constant 16 : i32
        %parallel_loop3A_235 = arith.muli %parallel_loop3A_80, %parallel_loop3A_234 : i32
        %parallel_loop3A_236 = arith.constant 9 : i32
        %parallel_loop3A_237 = arith.index_cast %parallel_loop3A_236 : i32 to index
        %parallel_loop3A_238 = arith.index_cast %parallel_loop3A_235 : i32 to index
        %parallel_loop3A_239 = tpu.vector_load %arg14[%parallel_loop3A_237, %parallel_loop3A_238] {strides = array<i32>} : memref<12x2048xf32, #tpu.memory_space<vmem>>, vector<16xf32>,
        tpu.vector_store %arg14[%parallel_loop3A_237, %parallel_loop3A_238], %parallel_loop3A_233 {strides = array<i32>} : memref<12x2048xf32, #tpu.memory_space<vmem>>, vector<16xf32>,
        %parallel_loop3A_240 = arith.constant 5 : i32
        %parallel_loop3A_241 = vector.broadcast %parallel_loop3A_240 : i32 to vector<16xi32>
        %parallel_loop3A_242 = arith.addi %parallel_loop3A_119, %parallel_loop3A_241 : vector<16xi32>
        %parallel_loop3A_243 = tpu.vector_load_idx %arg8[%parallel_loop3A_242] : memref<49989xi32, #tpu.memory_space<vmem>>[vector<16xi32>], vector<16xi32>,
        %parallel_loop3A_244 = arith.constant 16 : i32
        %parallel_loop3A_245 = vector.broadcast %parallel_loop3A_244 : i32 to vector<16xi32>
        %parallel_loop3A_246 = arith.shli %parallel_loop3A_243, %parallel_loop3A_245 : vector<16xi32>
        %parallel_loop3A_247 = vector.bitcast %parallel_loop3A_246 : vector<16xi32> to vector<16xf32>
        %parallel_loop3A_248 = arith.constant 16 : i32
        %parallel_loop3A_249 = arith.muli %parallel_loop3A_80, %parallel_loop3A_248 : i32
        %parallel_loop3A_250 = arith.constant 10 : i32
        %parallel_loop3A_251 = arith.index_cast %parallel_loop3A_250 : i32 to index
        %parallel_loop3A_252 = arith.index_cast %parallel_loop3A_249 : i32 to index
        %parallel_loop3A_253 = tpu.vector_load %arg14[%parallel_loop3A_251, %parallel_loop3A_252] {strides = array<i32>} : memref<12x2048xf32, #tpu.memory_space<vmem>>, vector<16xf32>,
        tpu.vector_store %arg14[%parallel_loop3A_251, %parallel_loop3A_252], %parallel_loop3A_247 {strides = array<i32>} : memref<12x2048xf32, #tpu.memory_space<vmem>>, vector<16xf32>,
        %parallel_loop3A_254 = arith.constant -65536 : i32
        %parallel_loop3A_255 = vector.broadcast %parallel_loop3A_254 : i32 to vector<16xi32>
        %parallel_loop3A_256 = arith.andi %parallel_loop3A_243, %parallel_loop3A_255 : vector<16xi32>
        %parallel_loop3A_257 = vector.bitcast %parallel_loop3A_256 : vector<16xi32> to vector<16xf32>
        %parallel_loop3A_258 = arith.constant 16 : i32
        %parallel_loop3A_259 = arith.muli %parallel_loop3A_80, %parallel_loop3A_258 : i32
        %parallel_loop3A_260 = arith.constant 11 : i32
        %parallel_loop3A_261 = arith.index_cast %parallel_loop3A_260 : i32 to index
        %parallel_loop3A_262 = arith.index_cast %parallel_loop3A_259 : i32 to index
        %parallel_loop3A_263 = tpu.vector_load %arg14[%parallel_loop3A_261, %parallel_loop3A_262] {strides = array<i32>} : memref<12x2048xf32, #tpu.memory_space<vmem>>, vector<16xf32>,
        tpu.vector_store %arg14[%parallel_loop3A_261, %parallel_loop3A_262], %parallel_loop3A_257 {strides = array<i32>} : memref<12x2048xf32, #tpu.memory_space<vmem>>, vector<16xf32>,
      } {sc.loop_unroll_factor = 4 : i64, sc.parallel_access}
      %dma_start3A = arith.constant 0 : i32
      %dma_start3A_45 = arith.constant 0 : i32
      %dma_start3A_46 = tpu.memref_slice %arg7[%dma_start3A, %add3A_37, %dma_start3A_45] : memref<12x2048x2048xf32, #tpu.memory_space<hbm>> -> memref<12x1x2048xf32, #tpu.memory_space<hbm>>
      %dma_start3A_47 = tpu.memref_squeeze %dma_start3A_46 : memref<12x1x2048xf32, #tpu.memory_space<hbm>> -> memref<12x2048xf32, #tpu.memory_space<hbm>>
      %dma_start3A_48 = arith.constant 0 : i32
      %dma_start3A_49 = arith.constant 0 : i32
      %dma_start3A_50 = tpu.memref_slice %arg7[%dma_start3A_48, %add3A_37, %dma_start3A_49] : memref<12x2048x2048xf32, #tpu.memory_space<hbm>> -> memref<12x1x2048xf32, #tpu.memory_space<hbm>>
      %dma_start3A_51 = tpu.memref_squeeze %dma_start3A_50 : memref<12x1x2048xf32, #tpu.memory_space<hbm>> -> memref<12x2048xf32, #tpu.memory_space<hbm>>
      tpu.enqueue_dma source(%arg14 : memref<12x2048xf32, #tpu.memory_space<vmem>>) target(%dma_start3A_51 : memref<12x2048xf32, #tpu.memory_space<hbm>>) target_semaphore(%arg17 : memref<!tpu.dma_semaphore, #tpu.memory_space<semaphore_mem>>)
      %gt3A_52 = arith.constant 0 : i32
      %gt3A_53 = arith.cmpi sgt, %add3A_28, %gt3A_52 : i32
      %convert_element_type3A_54 = arith.extui %gt3A_53 : i1 to i32
      %cond3A_55 = arith.constant 0 : i32
      %cond3A_56 = arith.cmpi ne, %convert_element_type3A_54, %cond3A_55 : i32
      scf.if %cond3A_56 {
        %dma_wait3A_80 = arith.constant 0 : i32
        %dma_wait3A_81 = arith.constant 0 : i32
        %dma_wait3A_82 = arith.constant 0 : i32
        %dma_wait3A_83 = tpu.memref_slice %arg7[%dma_wait3A_81, %dma_wait3A_80, %dma_wait3A_82] : memref<12x2048x2048xf32, #tpu.memory_space<hbm>> -> memref<12x1x2048xf32, #tpu.memory_space<hbm>>
        %dma_wait3A_84 = tpu.memref_squeeze %dma_wait3A_83 : memref<12x1x2048xf32, #tpu.memory_space<hbm>> -> memref<12x2048xf32, #tpu.memory_space<hbm>>
        %dma_wait3A_85 = arith.constant 0 : i32
        %dma_wait3A_86 = arith.constant 0 : i32
        %dma_wait3A_87 = tpu.memref_slice %arg7[%dma_wait3A_85, %dma_wait3A_80, %dma_wait3A_86] : memref<12x2048x2048xf32, #tpu.memory_space<hbm>> -> memref<12x1x2048xf32, #tpu.memory_space<hbm>>
        %dma_wait3A_88 = tpu.memref_squeeze %dma_wait3A_87 : memref<12x1x2048xf32, #tpu.memory_space<hbm>> -> memref<12x2048xf32, #tpu.memory_space<hbm>>
        tpu.wait_dma2 semaphore(%arg18 : memref<!tpu.dma_semaphore, #tpu.memory_space<semaphore_mem>>) src(%arg15 : memref<12x2048xf32, #tpu.memory_space<vmem>>) dst(%dma_wait3A_88 : memref<12x2048xf32, #tpu.memory_space<hbm>>)
      } else {
      }
      %add3A_57 = arith.constant 1 : i32
      %add3A_58 = arith.addi %add3A_28, %add3A_57 : i32
      %mul3A_59 = arith.constant 32 : i32
      %mul3A_60 = arith.muli %add3A_58, %mul3A_59 : i32
      %add3A_61 = arith.addi %mul3A_60, %add3A : i32
      %broadcast_in_dim3A_62 = arith.constant 0 : i32
      %broadcast_in_dim3A_63 = vector.broadcast %broadcast_in_dim3A_62 : i32 to vector<16xi32>
      %add3A_64 = vector.broadcast %add3A_61 : i32 to vector<16xi32>
      %add3A_65 = arith.addi %broadcast_in_dim3A_63, %add3A_64 : vector<16xi32>
      %gather3A_66 = tpu.vector_load_idx %arg10[%add3A_65] : memref<2048xi32, #tpu.memory_space<vmem>>[vector<16xi32>], vector<16xi32>,
      %gather3A_67 = tpu.vector_load_idx %arg11[%add3A_65] : memref<2048xi32, #tpu.memory_space<vmem>>[vector<16xi32>], vector<16xi32>,
      %gather3A_68 = tpu.vector_load_idx %arg13[%add3A_65] : memref<2048xi32, #tpu.memory_space<vmem>>[vector<16xi32>], vector<16xi32>,
      %parallel_loop3A_69 = arith.constant 0 : i32
      %parallel_loop3A_70 = arith.constant 128 : i32
      %parallel_loop3A_71 = arith.constant 1 : i32
      scf.for %parallel_loop3A_80 = %parallel_loop3A_69 to %parallel_loop3A_70 step %parallel_loop3A_71  : i32 {
        %parallel_loop3A_81 = arith.constant 16 : i32
        %parallel_loop3A_82 = arith.muli %parallel_loop3A_80, %parallel_loop3A_81 : i32
        %parallel_loop3A_83 = arith.index_cast %parallel_loop3A_82 : i32 to index
        %parallel_loop3A_84 = tpu.vector_load %arg10[%parallel_loop3A_83] {strides = array<i32>} : memref<2048xi32, #tpu.memory_space<vmem>>, vector<16xi32>,
        %parallel_loop3A_85 = arith.index_cast %parallel_loop3A_82 : i32 to index
        %parallel_loop3A_86 = tpu.vector_load %arg11[%parallel_loop3A_85] {strides = array<i32>} : memref<2048xi32, #tpu.memory_space<vmem>>, vector<16xi32>,
        %parallel_loop3A_87 = arith.index_cast %parallel_loop3A_82 : i32 to index
        %parallel_loop3A_88 = tpu.vector_load %arg12[%parallel_loop3A_87] {strides = array<i32>} : memref<2048xi32, #tpu.memory_space<vmem>>, vector<16xi32>,
        %parallel_loop3A_89 = arith.subi %gather3A_66, %parallel_loop3A_84 : vector<16xi32>
        %parallel_loop3A_90 = arith.constant -29 : i32
        %parallel_loop3A_91 = arith.constant 29 : i32
        %parallel_loop3A_92 = vector.broadcast %parallel_loop3A_90 : i32 to vector<16xi32>
        %parallel_loop3A_93 = arith.maxsi %parallel_loop3A_92, %parallel_loop3A_89 : vector<16xi32>
        %parallel_loop3A_94 = vector.broadcast %parallel_loop3A_91 : i32 to vector<16xi32>
        %parallel_loop3A_95 = arith.minsi %parallel_loop3A_94, %parallel_loop3A_93 : vector<16xi32>
        %parallel_loop3A_96 = arith.constant 29 : i32
        %parallel_loop3A_97 = vector.broadcast %parallel_loop3A_96 : i32 to vector<16xi32>
        %parallel_loop3A_98 = arith.addi %parallel_loop3A_95, %parallel_loop3A_97 : vector<16xi32>
        %parallel_loop3A_99 = arith.subi %gather3A_67, %parallel_loop3A_86 : vector<16xi32>
        %parallel_loop3A_100 = arith.constant -60 : i32
        %parallel_loop3A_101 = arith.constant 60 : i32
        %parallel_loop3A_102 = vector.broadcast %parallel_loop3A_100 : i32 to vector<16xi32>
        %parallel_loop3A_103 = arith.maxsi %parallel_loop3A_102, %parallel_loop3A_99 : vector<16xi32>
        %parallel_loop3A_104 = vector.broadcast %parallel_loop3A_101 : i32 to vector<16xi32>
        %parallel_loop3A_105 = arith.minsi %parallel_loop3A_104, %parallel_loop3A_103 : vector<16xi32>
        %parallel_loop3A_106 = arith.constant 60 : i32
        %parallel_loop3A_107 = vector.broadcast %parallel_loop3A_106 : i32 to vector<16xi32>
        %parallel_loop3A_108 = arith.addi %parallel_loop3A_105, %parallel_loop3A_107 : vector<16xi32>
        %parallel_loop3A_109 = arith.cmpi eq, %gather3A_68, %parallel_loop3A_88 : vector<16xi32>
        %parallel_loop3A_110 = arith.constant 121 : i32
        %parallel_loop3A_111 = vector.broadcast %parallel_loop3A_110 : i32 to vector<16xi32>
        %parallel_loop3A_112 = arith.muli %parallel_loop3A_98, %parallel_loop3A_111 : vector<16xi32>
        %parallel_loop3A_113 = arith.addi %parallel_loop3A_112, %parallel_loop3A_108 : vector<16xi32>
        %parallel_loop3A_114 = arith.constant 7 : i32
        %parallel_loop3A_115 = vector.broadcast %parallel_loop3A_114 : i32 to vector<16xi32>
        %parallel_loop3A_116 = arith.muli %parallel_loop3A_113, %parallel_loop3A_115 : vector<16xi32>
        %parallel_loop3A_117 = arith.constant 49973 : i32
        %parallel_loop3A_118 = vector.broadcast %parallel_loop3A_117 : i32 to vector<16xi32>
        %parallel_loop3A_119 = arith.select %parallel_loop3A_109, %parallel_loop3A_116, %parallel_loop3A_118 : vector<16xi1>, vector<16xi32>
        %parallel_loop3A_120 = arith.constant 0 : i32
        %parallel_loop3A_121 = vector.broadcast %parallel_loop3A_120 : i32 to vector<16xi32>
        %parallel_loop3A_122 = arith.addi %parallel_loop3A_119, %parallel_loop3A_121 : vector<16xi32>
        %parallel_loop3A_123 = tpu.vector_load_idx %arg8[%parallel_loop3A_122] : memref<49989xi32, #tpu.memory_space<vmem>>[vector<16xi32>], vector<16xi32>,
        %parallel_loop3A_124 = arith.constant 16 : i32
        %parallel_loop3A_125 = vector.broadcast %parallel_loop3A_124 : i32 to vector<16xi32>
        %parallel_loop3A_126 = arith.shli %parallel_loop3A_123, %parallel_loop3A_125 : vector<16xi32>
        %parallel_loop3A_127 = vector.bitcast %parallel_loop3A_126 : vector<16xi32> to vector<16xf32>
        %parallel_loop3A_128 = arith.constant 16 : i32
        %parallel_loop3A_129 = arith.muli %parallel_loop3A_80, %parallel_loop3A_128 : i32
        %parallel_loop3A_130 = arith.constant 0 : i32
        %parallel_loop3A_131 = arith.index_cast %parallel_loop3A_130 : i32 to index
        %parallel_loop3A_132 = arith.index_cast %parallel_loop3A_129 : i32 to index
        %parallel_loop3A_133 = tpu.vector_load %arg15[%parallel_loop3A_131, %parallel_loop3A_132] {strides = array<i32>} : memref<12x2048xf32, #tpu.memory_space<vmem>>, vector<16xf32>,
        tpu.vector_store %arg15[%parallel_loop3A_131, %parallel_loop3A_132], %parallel_loop3A_127 {strides = array<i32>} : memref<12x2048xf32, #tpu.memory_space<vmem>>, vector<16xf32>,
        %parallel_loop3A_134 = arith.constant -65536 : i32
        %parallel_loop3A_135 = vector.broadcast %parallel_loop3A_134 : i32 to vector<16xi32>
        %parallel_loop3A_136 = arith.andi %parallel_loop3A_123, %parallel_loop3A_135 : vector<16xi32>
        %parallel_loop3A_137 = vector.bitcast %parallel_loop3A_136 : vector<16xi32> to vector<16xf32>
        %parallel_loop3A_138 = arith.constant 16 : i32
        %parallel_loop3A_139 = arith.muli %parallel_loop3A_80, %parallel_loop3A_138 : i32
        %parallel_loop3A_140 = arith.constant 1 : i32
        %parallel_loop3A_141 = arith.index_cast %parallel_loop3A_140 : i32 to index
        %parallel_loop3A_142 = arith.index_cast %parallel_loop3A_139 : i32 to index
        %parallel_loop3A_143 = tpu.vector_load %arg15[%parallel_loop3A_141, %parallel_loop3A_142] {strides = array<i32>} : memref<12x2048xf32, #tpu.memory_space<vmem>>, vector<16xf32>,
        tpu.vector_store %arg15[%parallel_loop3A_141, %parallel_loop3A_142], %parallel_loop3A_137 {strides = array<i32>} : memref<12x2048xf32, #tpu.memory_space<vmem>>, vector<16xf32>,
        %parallel_loop3A_144 = arith.constant 1 : i32
        %parallel_loop3A_145 = vector.broadcast %parallel_loop3A_144 : i32 to vector<16xi32>
        %parallel_loop3A_146 = arith.addi %parallel_loop3A_119, %parallel_loop3A_145 : vector<16xi32>
        %parallel_loop3A_147 = tpu.vector_load_idx %arg8[%parallel_loop3A_146] : memref<49989xi32, #tpu.memory_space<vmem>>[vector<16xi32>], vector<16xi32>,
        %parallel_loop3A_148 = arith.constant 16 : i32
        %parallel_loop3A_149 = vector.broadcast %parallel_loop3A_148 : i32 to vector<16xi32>
        %parallel_loop3A_150 = arith.shli %parallel_loop3A_147, %parallel_loop3A_149 : vector<16xi32>
        %parallel_loop3A_151 = vector.bitcast %parallel_loop3A_150 : vector<16xi32> to vector<16xf32>
        %parallel_loop3A_152 = arith.constant 16 : i32
        %parallel_loop3A_153 = arith.muli %parallel_loop3A_80, %parallel_loop3A_152 : i32
        %parallel_loop3A_154 = arith.constant 2 : i32
        %parallel_loop3A_155 = arith.index_cast %parallel_loop3A_154 : i32 to index
        %parallel_loop3A_156 = arith.index_cast %parallel_loop3A_153 : i32 to index
        %parallel_loop3A_157 = tpu.vector_load %arg15[%parallel_loop3A_155, %parallel_loop3A_156] {strides = array<i32>} : memref<12x2048xf32, #tpu.memory_space<vmem>>, vector<16xf32>,
        tpu.vector_store %arg15[%parallel_loop3A_155, %parallel_loop3A_156], %parallel_loop3A_151 {strides = array<i32>} : memref<12x2048xf32, #tpu.memory_space<vmem>>, vector<16xf32>,
        %parallel_loop3A_158 = arith.constant -65536 : i32
        %parallel_loop3A_159 = vector.broadcast %parallel_loop3A_158 : i32 to vector<16xi32>
        %parallel_loop3A_160 = arith.andi %parallel_loop3A_147, %parallel_loop3A_159 : vector<16xi32>
        %parallel_loop3A_161 = vector.bitcast %parallel_loop3A_160 : vector<16xi32> to vector<16xf32>
        %parallel_loop3A_162 = arith.constant 16 : i32
        %parallel_loop3A_163 = arith.muli %parallel_loop3A_80, %parallel_loop3A_162 : i32
        %parallel_loop3A_164 = arith.constant 3 : i32
        %parallel_loop3A_165 = arith.index_cast %parallel_loop3A_164 : i32 to index
        %parallel_loop3A_166 = arith.index_cast %parallel_loop3A_163 : i32 to index
        %parallel_loop3A_167 = tpu.vector_load %arg15[%parallel_loop3A_165, %parallel_loop3A_166] {strides = array<i32>} : memref<12x2048xf32, #tpu.memory_space<vmem>>, vector<16xf32>,
        tpu.vector_store %arg15[%parallel_loop3A_165, %parallel_loop3A_166], %parallel_loop3A_161 {strides = array<i32>} : memref<12x2048xf32, #tpu.memory_space<vmem>>, vector<16xf32>,
        %parallel_loop3A_168 = arith.constant 2 : i32
        %parallel_loop3A_169 = vector.broadcast %parallel_loop3A_168 : i32 to vector<16xi32>
        %parallel_loop3A_170 = arith.addi %parallel_loop3A_119, %parallel_loop3A_169 : vector<16xi32>
        %parallel_loop3A_171 = tpu.vector_load_idx %arg8[%parallel_loop3A_170] : memref<49989xi32, #tpu.memory_space<vmem>>[vector<16xi32>], vector<16xi32>,
        %parallel_loop3A_172 = arith.constant 16 : i32
        %parallel_loop3A_173 = vector.broadcast %parallel_loop3A_172 : i32 to vector<16xi32>
        %parallel_loop3A_174 = arith.shli %parallel_loop3A_171, %parallel_loop3A_173 : vector<16xi32>
        %parallel_loop3A_175 = vector.bitcast %parallel_loop3A_174 : vector<16xi32> to vector<16xf32>
        %parallel_loop3A_176 = arith.constant 16 : i32
        %parallel_loop3A_177 = arith.muli %parallel_loop3A_80, %parallel_loop3A_176 : i32
        %parallel_loop3A_178 = arith.constant 4 : i32
        %parallel_loop3A_179 = arith.index_cast %parallel_loop3A_178 : i32 to index
        %parallel_loop3A_180 = arith.index_cast %parallel_loop3A_177 : i32 to index
        %parallel_loop3A_181 = tpu.vector_load %arg15[%parallel_loop3A_179, %parallel_loop3A_180] {strides = array<i32>} : memref<12x2048xf32, #tpu.memory_space<vmem>>, vector<16xf32>,
        tpu.vector_store %arg15[%parallel_loop3A_179, %parallel_loop3A_180], %parallel_loop3A_175 {strides = array<i32>} : memref<12x2048xf32, #tpu.memory_space<vmem>>, vector<16xf32>,
        %parallel_loop3A_182 = arith.constant -65536 : i32
        %parallel_loop3A_183 = vector.broadcast %parallel_loop3A_182 : i32 to vector<16xi32>
        %parallel_loop3A_184 = arith.andi %parallel_loop3A_171, %parallel_loop3A_183 : vector<16xi32>
        %parallel_loop3A_185 = vector.bitcast %parallel_loop3A_184 : vector<16xi32> to vector<16xf32>
        %parallel_loop3A_186 = arith.constant 16 : i32
        %parallel_loop3A_187 = arith.muli %parallel_loop3A_80, %parallel_loop3A_186 : i32
        %parallel_loop3A_188 = arith.constant 5 : i32
        %parallel_loop3A_189 = arith.index_cast %parallel_loop3A_188 : i32 to index
        %parallel_loop3A_190 = arith.index_cast %parallel_loop3A_187 : i32 to index
        %parallel_loop3A_191 = tpu.vector_load %arg15[%parallel_loop3A_189, %parallel_loop3A_190] {strides = array<i32>} : memref<12x2048xf32, #tpu.memory_space<vmem>>, vector<16xf32>,
        tpu.vector_store %arg15[%parallel_loop3A_189, %parallel_loop3A_190], %parallel_loop3A_185 {strides = array<i32>} : memref<12x2048xf32, #tpu.memory_space<vmem>>, vector<16xf32>,
        %parallel_loop3A_192 = arith.constant 3 : i32
        %parallel_loop3A_193 = vector.broadcast %parallel_loop3A_192 : i32 to vector<16xi32>
        %parallel_loop3A_194 = arith.addi %parallel_loop3A_119, %parallel_loop3A_193 : vector<16xi32>
        %parallel_loop3A_195 = tpu.vector_load_idx %arg8[%parallel_loop3A_194] : memref<49989xi32, #tpu.memory_space<vmem>>[vector<16xi32>], vector<16xi32>,
        %parallel_loop3A_196 = arith.constant 16 : i32
        %parallel_loop3A_197 = vector.broadcast %parallel_loop3A_196 : i32 to vector<16xi32>
        %parallel_loop3A_198 = arith.shli %parallel_loop3A_195, %parallel_loop3A_197 : vector<16xi32>
        %parallel_loop3A_199 = vector.bitcast %parallel_loop3A_198 : vector<16xi32> to vector<16xf32>
        %parallel_loop3A_200 = arith.constant 16 : i32
        %parallel_loop3A_201 = arith.muli %parallel_loop3A_80, %parallel_loop3A_200 : i32
        %parallel_loop3A_202 = arith.constant 6 : i32
        %parallel_loop3A_203 = arith.index_cast %parallel_loop3A_202 : i32 to index
        %parallel_loop3A_204 = arith.index_cast %parallel_loop3A_201 : i32 to index
        %parallel_loop3A_205 = tpu.vector_load %arg15[%parallel_loop3A_203, %parallel_loop3A_204] {strides = array<i32>} : memref<12x2048xf32, #tpu.memory_space<vmem>>, vector<16xf32>,
        tpu.vector_store %arg15[%parallel_loop3A_203, %parallel_loop3A_204], %parallel_loop3A_199 {strides = array<i32>} : memref<12x2048xf32, #tpu.memory_space<vmem>>, vector<16xf32>,
        %parallel_loop3A_206 = arith.constant -65536 : i32
        %parallel_loop3A_207 = vector.broadcast %parallel_loop3A_206 : i32 to vector<16xi32>
        %parallel_loop3A_208 = arith.andi %parallel_loop3A_195, %parallel_loop3A_207 : vector<16xi32>
        %parallel_loop3A_209 = vector.bitcast %parallel_loop3A_208 : vector<16xi32> to vector<16xf32>
        %parallel_loop3A_210 = arith.constant 16 : i32
        %parallel_loop3A_211 = arith.muli %parallel_loop3A_80, %parallel_loop3A_210 : i32
        %parallel_loop3A_212 = arith.constant 7 : i32
        %parallel_loop3A_213 = arith.index_cast %parallel_loop3A_212 : i32 to index
        %parallel_loop3A_214 = arith.index_cast %parallel_loop3A_211 : i32 to index
        %parallel_loop3A_215 = tpu.vector_load %arg15[%parallel_loop3A_213, %parallel_loop3A_214] {strides = array<i32>} : memref<12x2048xf32, #tpu.memory_space<vmem>>, vector<16xf32>,
        tpu.vector_store %arg15[%parallel_loop3A_213, %parallel_loop3A_214], %parallel_loop3A_209 {strides = array<i32>} : memref<12x2048xf32, #tpu.memory_space<vmem>>, vector<16xf32>,
        %parallel_loop3A_216 = arith.constant 4 : i32
        %parallel_loop3A_217 = vector.broadcast %parallel_loop3A_216 : i32 to vector<16xi32>
        %parallel_loop3A_218 = arith.addi %parallel_loop3A_119, %parallel_loop3A_217 : vector<16xi32>
        %parallel_loop3A_219 = tpu.vector_load_idx %arg8[%parallel_loop3A_218] : memref<49989xi32, #tpu.memory_space<vmem>>[vector<16xi32>], vector<16xi32>,
        %parallel_loop3A_220 = arith.constant 16 : i32
        %parallel_loop3A_221 = vector.broadcast %parallel_loop3A_220 : i32 to vector<16xi32>
        %parallel_loop3A_222 = arith.shli %parallel_loop3A_219, %parallel_loop3A_221 : vector<16xi32>
        %parallel_loop3A_223 = vector.bitcast %parallel_loop3A_222 : vector<16xi32> to vector<16xf32>
        %parallel_loop3A_224 = arith.constant 16 : i32
        %parallel_loop3A_225 = arith.muli %parallel_loop3A_80, %parallel_loop3A_224 : i32
        %parallel_loop3A_226 = arith.constant 8 : i32
        %parallel_loop3A_227 = arith.index_cast %parallel_loop3A_226 : i32 to index
        %parallel_loop3A_228 = arith.index_cast %parallel_loop3A_225 : i32 to index
        %parallel_loop3A_229 = tpu.vector_load %arg15[%parallel_loop3A_227, %parallel_loop3A_228] {strides = array<i32>} : memref<12x2048xf32, #tpu.memory_space<vmem>>, vector<16xf32>,
        tpu.vector_store %arg15[%parallel_loop3A_227, %parallel_loop3A_228], %parallel_loop3A_223 {strides = array<i32>} : memref<12x2048xf32, #tpu.memory_space<vmem>>, vector<16xf32>,
        %parallel_loop3A_230 = arith.constant -65536 : i32
        %parallel_loop3A_231 = vector.broadcast %parallel_loop3A_230 : i32 to vector<16xi32>
        %parallel_loop3A_232 = arith.andi %parallel_loop3A_219, %parallel_loop3A_231 : vector<16xi32>
        %parallel_loop3A_233 = vector.bitcast %parallel_loop3A_232 : vector<16xi32> to vector<16xf32>
        %parallel_loop3A_234 = arith.constant 16 : i32
        %parallel_loop3A_235 = arith.muli %parallel_loop3A_80, %parallel_loop3A_234 : i32
        %parallel_loop3A_236 = arith.constant 9 : i32
        %parallel_loop3A_237 = arith.index_cast %parallel_loop3A_236 : i32 to index
        %parallel_loop3A_238 = arith.index_cast %parallel_loop3A_235 : i32 to index
        %parallel_loop3A_239 = tpu.vector_load %arg15[%parallel_loop3A_237, %parallel_loop3A_238] {strides = array<i32>} : memref<12x2048xf32, #tpu.memory_space<vmem>>, vector<16xf32>,
        tpu.vector_store %arg15[%parallel_loop3A_237, %parallel_loop3A_238], %parallel_loop3A_233 {strides = array<i32>} : memref<12x2048xf32, #tpu.memory_space<vmem>>, vector<16xf32>,
        %parallel_loop3A_240 = arith.constant 5 : i32
        %parallel_loop3A_241 = vector.broadcast %parallel_loop3A_240 : i32 to vector<16xi32>
        %parallel_loop3A_242 = arith.addi %parallel_loop3A_119, %parallel_loop3A_241 : vector<16xi32>
        %parallel_loop3A_243 = tpu.vector_load_idx %arg8[%parallel_loop3A_242] : memref<49989xi32, #tpu.memory_space<vmem>>[vector<16xi32>], vector<16xi32>,
        %parallel_loop3A_244 = arith.constant 16 : i32
        %parallel_loop3A_245 = vector.broadcast %parallel_loop3A_244 : i32 to vector<16xi32>
        %parallel_loop3A_246 = arith.shli %parallel_loop3A_243, %parallel_loop3A_245 : vector<16xi32>
        %parallel_loop3A_247 = vector.bitcast %parallel_loop3A_246 : vector<16xi32> to vector<16xf32>
        %parallel_loop3A_248 = arith.constant 16 : i32
        %parallel_loop3A_249 = arith.muli %parallel_loop3A_80, %parallel_loop3A_248 : i32
        %parallel_loop3A_250 = arith.constant 10 : i32
        %parallel_loop3A_251 = arith.index_cast %parallel_loop3A_250 : i32 to index
        %parallel_loop3A_252 = arith.index_cast %parallel_loop3A_249 : i32 to index
        %parallel_loop3A_253 = tpu.vector_load %arg15[%parallel_loop3A_251, %parallel_loop3A_252] {strides = array<i32>} : memref<12x2048xf32, #tpu.memory_space<vmem>>, vector<16xf32>,
        tpu.vector_store %arg15[%parallel_loop3A_251, %parallel_loop3A_252], %parallel_loop3A_247 {strides = array<i32>} : memref<12x2048xf32, #tpu.memory_space<vmem>>, vector<16xf32>,
        %parallel_loop3A_254 = arith.constant -65536 : i32
        %parallel_loop3A_255 = vector.broadcast %parallel_loop3A_254 : i32 to vector<16xi32>
        %parallel_loop3A_256 = arith.andi %parallel_loop3A_243, %parallel_loop3A_255 : vector<16xi32>
        %parallel_loop3A_257 = vector.bitcast %parallel_loop3A_256 : vector<16xi32> to vector<16xf32>
        %parallel_loop3A_258 = arith.constant 16 : i32
        %parallel_loop3A_259 = arith.muli %parallel_loop3A_80, %parallel_loop3A_258 : i32
        %parallel_loop3A_260 = arith.constant 11 : i32
        %parallel_loop3A_261 = arith.index_cast %parallel_loop3A_260 : i32 to index
        %parallel_loop3A_262 = arith.index_cast %parallel_loop3A_259 : i32 to index
        %parallel_loop3A_263 = tpu.vector_load %arg15[%parallel_loop3A_261, %parallel_loop3A_262] {strides = array<i32>} : memref<12x2048xf32, #tpu.memory_space<vmem>>, vector<16xf32>,
        tpu.vector_store %arg15[%parallel_loop3A_261, %parallel_loop3A_262], %parallel_loop3A_257 {strides = array<i32>} : memref<12x2048xf32, #tpu.memory_space<vmem>>, vector<16xf32>,
      } {sc.loop_unroll_factor = 4 : i64, sc.parallel_access}
      %dma_start3A_72 = arith.constant 0 : i32
      %dma_start3A_73 = arith.constant 0 : i32
      %dma_start3A_74 = tpu.memref_slice %arg7[%dma_start3A_72, %add3A_61, %dma_start3A_73] : memref<12x2048x2048xf32, #tpu.memory_space<hbm>> -> memref<12x1x2048xf32, #tpu.memory_space<hbm>>
      %dma_start3A_75 = tpu.memref_squeeze %dma_start3A_74 : memref<12x1x2048xf32, #tpu.memory_space<hbm>> -> memref<12x2048xf32, #tpu.memory_space<hbm>>
      %dma_start3A_76 = arith.constant 0 : i32
      %dma_start3A_77 = arith.constant 0 : i32
      %dma_start3A_78 = tpu.memref_slice %arg7[%dma_start3A_76, %add3A_61, %dma_start3A_77] : memref<12x2048x2048xf32, #tpu.memory_space<hbm>> -> memref<12x1x2048xf32, #tpu.memory_space<hbm>>
      %dma_start3A_79 = tpu.memref_squeeze %dma_start3A_78 : memref<12x1x2048xf32, #tpu.memory_space<hbm>> -> memref<12x2048xf32, #tpu.memory_space<hbm>>
      tpu.enqueue_dma source(%arg15 : memref<12x2048xf32, #tpu.memory_space<vmem>>) target(%dma_start3A_79 : memref<12x2048xf32, #tpu.memory_space<hbm>>) target_semaphore(%arg18 : memref<!tpu.dma_semaphore, #tpu.memory_space<semaphore_mem>>)
    }
    %scan3A_6 = arith.constant 32 : i32
    %dma_wait3A = arith.constant 0 : i32
    %dma_wait3A_7 = arith.constant 0 : i32
    %dma_wait3A_8 = arith.constant 0 : i32
    %dma_wait3A_9 = tpu.memref_slice %arg7[%dma_wait3A_7, %dma_wait3A, %dma_wait3A_8] : memref<12x2048x2048xf32, #tpu.memory_space<hbm>> -> memref<12x1x2048xf32, #tpu.memory_space<hbm>>
    %dma_wait3A_10 = tpu.memref_squeeze %dma_wait3A_9 : memref<12x1x2048xf32, #tpu.memory_space<hbm>> -> memref<12x2048xf32, #tpu.memory_space<hbm>>
    %dma_wait3A_11 = arith.constant 0 : i32
    %dma_wait3A_12 = arith.constant 0 : i32
    %dma_wait3A_13 = tpu.memref_slice %arg7[%dma_wait3A_11, %dma_wait3A, %dma_wait3A_12] : memref<12x2048x2048xf32, #tpu.memory_space<hbm>> -> memref<12x1x2048xf32, #tpu.memory_space<hbm>>
    %dma_wait3A_14 = tpu.memref_squeeze %dma_wait3A_13 : memref<12x1x2048xf32, #tpu.memory_space<hbm>> -> memref<12x2048xf32, #tpu.memory_space<hbm>>
    tpu.wait_dma2 semaphore(%arg17 : memref<!tpu.dma_semaphore, #tpu.memory_space<semaphore_mem>>) src(%arg14 : memref<12x2048xf32, #tpu.memory_space<vmem>>) dst(%dma_wait3A_14 : memref<12x2048xf32, #tpu.memory_space<hbm>>)
    %dma_wait3A_15 = arith.constant 0 : i32
    %dma_wait3A_16 = arith.constant 0 : i32
    %dma_wait3A_17 = arith.constant 0 : i32
    %dma_wait3A_18 = tpu.memref_slice %arg7[%dma_wait3A_16, %dma_wait3A_15, %dma_wait3A_17] : memref<12x2048x2048xf32, #tpu.memory_space<hbm>> -> memref<12x1x2048xf32, #tpu.memory_space<hbm>>
    %dma_wait3A_19 = tpu.memref_squeeze %dma_wait3A_18 : memref<12x1x2048xf32, #tpu.memory_space<hbm>> -> memref<12x2048xf32, #tpu.memory_space<hbm>>
    %dma_wait3A_20 = arith.constant 0 : i32
    %dma_wait3A_21 = arith.constant 0 : i32
    %dma_wait3A_22 = tpu.memref_slice %arg7[%dma_wait3A_20, %dma_wait3A_15, %dma_wait3A_21] : memref<12x2048x2048xf32, #tpu.memory_space<hbm>> -> memref<12x1x2048xf32, #tpu.memory_space<hbm>>
    %dma_wait3A_23 = tpu.memref_squeeze %dma_wait3A_22 : memref<12x1x2048xf32, #tpu.memory_space<hbm>> -> memref<12x2048xf32, #tpu.memory_space<hbm>>
    tpu.wait_dma2 semaphore(%arg18 : memref<!tpu.dma_semaphore, #tpu.memory_space<semaphore_mem>>) src(%arg15 : memref<12x2048xf32, #tpu.memory_space<vmem>>) dst(%dma_wait3A_23 : memref<12x2048xf32, #tpu.memory_space<hbm>>)
    return
  }
}

</mosaic_0001>

<sc_bundles>
// kernel: _launch.3.cloned.1.call-start
scs
__scs_entry_jumppad:
0x0: {  	(pc) =	sbr.rel $0x88, $3  }
0x1: {  	(tag) =	ssettag $0x0;
	lr =	simm.s32 $0x1  }
0x2: {  	[smem:$0x3F9C] =	sst lr;
	_ =	strace $0xD0000000  }
0x3: {  	_ = 	snop  }
0x4: {  	_ = 	snop  }
0x5: {  	_ = 	snop  }
0x6: {  	_ = 	snop  }
0x7: {  	_ = 	snop  }
__scs_overlays_trampoline_lowered:
0x8: {  	[smem:$0x3FAB] =	sst s0  }
0x9: {  	[smem:$0x3FAC] =	sst s1  }
0xa: {  	[smem:$0x3FAD] =	sst s2  }
0xb: {  	[smem:$0x3FAE] =	sst s3  }
0xc: {  	[smem:$0x3FAF] =	sst s4  }
0xd: {  	[smem:$0x3FB0] =	sst s5  }
0xe: {  	[smem:$0x3FB1] =	sst s6  }
0xf: {  	[smem:$0x3FB2] =	sst s7  }
0x10: {  	[smem:$0x3FB3] =	sst s8  }
0x11: {  	[smem:$0x3FB4] =	sst s9;
	s0 =	simm.s32 @!p0 $0x0  }
0x12: {  	s1 =	sld [smem:$0x3F9A];
	s0 =	simm.s32 @p0 $0x1  }
0x13: {  	[smem:$0x3FB5] =	sst s0;
	s0 =	simm.s32 @!p1 $0x0  }
0x14: {  	s2 =	sld [smem:$0x3F99];
	s0 =	simm.s32 @p1 $0x1  }
0x15: {  	[smem:$0x3FB6] =	sst s0;
	s0 =	simm.s32 @!p2 $0x0  }
0x16: {  	s3 =	sld [smem:$0x3FDB];
	s0 =	simm.s32 @p2 $0x1  }
0x17: {  	s4 =	simm.s32 $0x1BF5;
	[smem:$0x3FB8] =	sst s0  }
0x18: {  	s0 =	sld [smem:$0x3F9B];
	_ =	swait.ge [sflag:s4], $0x0  }
0x19: {  	s7 =	sld [smem:$0x3F9C]  }
0x1a: {  	s8 =	sadd.s32 $0xFFFFE003, lr  }
0x1b: {  	s9 =	sadd.s32 $0xFFFFFEF7, lr;
	s5 =	simm.s32 $0xFFFFFFFF;
	p2 =	slt.u32 s8, $0xFFFFF086  }
0x1c: {  	p1 =	slt.u32 s9, $0xF7A;
	s5 =	simm.s32 @!p2 $0x0  }
0x1d: {  	s5 =	simm.s32 @p1 $0x1;
	p0 =	seq.s32 s7, s2  }
0x1e: {  	s7 =	smul.u32 @!p0 $0xF7A, s2;
	p2 =	seq.s32 @!p0 s5, $0x0  }
0x1f: {  	s9 =	smul.u32 $0xF7A, s1;
	s8 =	simm.s32 @!p0 $0x1BF5;
	p2 =	por !p2, p0  }
0x20: {  	[sflag:s8] =	ssyncset.s32 @!p0 $0xFFFFF086;
	s6 =	sadd.s32 @!p0 s3, s7;
	s7 =	simm.s32 @!p0 $0x108  }
0x21: {  	s3 =	sadd.s32 s3, s9;
	s6 =	sadd.s32 @!p0 $0x88, s6;
	s7 =	simm.s32 @p2 $0x1082  }
0x22: {  	[simem:s7], [sflag:s8] =	dma.local @!p0 [hbm:s6], $0xF7A  }
0x23: {  	s9 =	sor.u32 $0xD0000000, s2;
	s6 =	simm.s32 $0x108;
	_ =	swait.ge @!p0 [sflag:s8], $0x0  }
0x24: {  	s3 =	sadd.s32 $0x88, s3;
	s6 =	simm.s32 @!p1 $0x1082;
	[sflag:s4] =	ssyncset.s32 $0xFFFFF086  }
0x25: {  	[simem:s6], [sflag:s4] =	dma.local [hbm:s3], $0xF7A  }
0x26: {  	[smem:$0x3F9C] =	sst s1;
	(tag) =	ssettag s2;
	_ =	strace s9  }
0x27: {  	s1 =	sld [smem:$0x3FAC]  }
0x28: {  	s2 =	sld [smem:$0x3FAD]  }
0x29: {  	s4 =	sld [smem:$0x3FAF]  }
0x2a: {  	p0 =	seq.s32 s5, $0x0;
	s5 =	sld [smem:$0x3FB0]  }
0x2b: {  	s6 =	sld [smem:$0x3FB1]  }
0x2c: {  	s7 =	sld [smem:$0x3FB2]  }
0x2d: {  	s3 =	simm.s32 $0x108;
	s8 =	sld [smem:$0x3FB3]  }
0x2e: {  	s3 =	simm.s32 @!p0 $0x1082;
	s9 =	sld [smem:$0x3FB4]  }
0x2f: {  	lr =	sadd.s32 s0, s3;
	s0 =	sld [smem:$0x3FAB]  }
0x30: {  	s3 =	sld [smem:$0x3FAE]  }
0x31: {  	[smem:$0x3FB7] =	sst s10  }
0x32: {  	s10 =	sld [smem:$0x3FB5];
	_ =	sdelay $0x3  }
0x33: {  	p0 =	seq.s32 s10, $0x1;
	s10 =	sld [smem:$0x3FB7];
	_ =	sdelay $0x3  }
0x34: {  	[smem:$0x3FB7] =	sst s10  }
0x35: {  	s10 =	sld [smem:$0x3FB6];
	_ =	sdelay $0x3  }
0x36: {  	p1 =	seq.s32 s10, $0x1;
	s10 =	sld [smem:$0x3FB7];
	_ =	sdelay $0x3  }
0x37: {  	[smem:$0x3FB7] =	sst s10  }
0x38: {  	s10 =	sld [smem:$0x3FB8]  }
0x39: {  	_ = 	snop;
	(pc) =	sbr.ind lr, $3  }
0x3a: {  	_ = 	snop  }
0x3b: {  	_ = 	snop  }
0x3c: {  	p2 =	seq.s32 s10, $0x1;
	s10 =	sld [smem:$0x3FB7]  }
0x3d: {  	_ =	shalt  }
0x3e: {  	_ =	shalt  }
0x3f: {  	_ =	shalt  }
0x40: {  	_ =	shalt  }
0x41: {  	_ =	shalt  }
0x42: {  	_ =	shalt  }
0x43: {  	_ =	shalt  }
0x44: {  	_ =	shalt  }
0x45: {  	_ =	shalt  }
0x46: {  	_ =	shalt  }
0x47: {  	_ =	shalt  }
0x48: {  	_ =	shalt  }
0x49: {  	_ =	shalt  }
0x4a: {  	_ =	shalt  }
0x4b: {  	_ =	shalt  }
0x4c: {  	_ =	shalt  }
0x4d: {  	_ =	shalt  }
0x4e: {  	_ =	shalt  }
0x4f: {  	_ =	shalt  }
0x50: {  	_ =	shalt  }
0x51: {  	_ =	shalt  }
0x52: {  	_ =	shalt  }
0x53: {  	_ =	shalt  }
0x54: {  	_ =	shalt  }
0x55: {  	_ =	shalt  }
0x56: {  	_ =	shalt  }
0x57: {  	_ =	shalt  }
0x58: {  	_ =	shalt  }
0x59: {  	_ =	shalt  }
0x5a: {  	_ =	shalt  }
0x5b: {  	_ =	shalt  }
0x5c: {  	_ =	shalt  }
0x5d: {  	_ =	shalt  }
0x5e: {  	_ =	shalt  }
0x5f: {  	_ =	shalt  }
0x60: {  	_ =	shalt  }
0x61: {  	_ =	shalt  }
0x62: {  	_ =	shalt  }
0x63: {  	_ =	shalt  }
0x64: {  	_ =	shalt  }
0x65: {  	_ =	shalt  }
0x66: {  	_ =	shalt  }
0x67: {  	_ =	shalt  }
0x68: {  	_ =	shalt  }
0x69: {  	_ =	shalt  }
0x6a: {  	_ =	shalt  }
0x6b: {  	_ =	shalt  }
0x6c: {  	_ =	shalt  }
0x6d: {  	_ =	shalt  }
0x6e: {  	_ =	shalt  }
0x6f: {  	_ =	shalt  }
0x70: {  	_ =	shalt  }
0x71: {  	_ =	shalt  }
0x72: {  	_ =	shalt  }
0x73: {  	_ =	shalt  }
0x74: {  	_ =	shalt  }
0x75: {  	_ =	shalt  }
0x76: {  	_ =	shalt  }
0x77: {  	_ =	shalt  }
0x78: {  	_ =	shalt  }
0x79: {  	_ =	shalt  }
0x7a: {  	_ =	shalt  }
0x7b: {  	_ =	shalt  }
0x7c: {  	_ =	shalt  }
0x7d: {  	_ =	shalt  }
0x7e: {  	_ =	shalt  }
0x7f: {  	_ =	shalt  }
0x80: {  	_ =	shalt  }
0x81: {  	_ =	shalt  }
0x82: {  	_ =	shalt  }
0x83: {  	_ =	shalt  }
0x84: {  	_ =	shalt  }
0x85: {  	_ =	shalt  }
0x86: {  	_ =	shalt  }
0x87: {  	_ =	shalt  }
.Lfunc_end0:
.L_simem_size_0:
called_computation_lowered:
.L_overlay_start_0:
0x88: {  	s2 =	sld [smem:$0x3FD9]  }
0x89: {  	s3 =	sld [smem:$0x3FFE];
	_ =	sdelay $0x1  }
0x8a: {  	s1 =	srdreg.scid  }
0x8b: {  	s0 =	sand.u32 $0x1, s1  }
0x8c: {  	s18 =	sshll.u32 s0, $0xA;
	s2 =	sadd.s32 s3, s2  }
0x8d: {  	s2 =	sadd.s32 s2, s18  }
0x8e: {  	[smem:$0x3FC3] =	sst s2  }
0x8f: {  	_ = 	snop  }
0x90: {  	s2 =	sld [smem:$0x3FC9]  }
0x91: {  	s19 =	sld [smem:$0x3FC8]  }
0x92: {  	s4 =	sld [smem:$0x3FC7]  }
0x93: {  	s5 =	sld [smem:$0x3FC6]  }
0x94: {  	s6 =	sld [smem:$0x3FC5]  }
0x95: {  	s7 =	sld [smem:$0x3FD0];
	(tm) =	ssettm $0x1  }
0x96: {  	s8 =	sld [smem:$0x3FFB];
	_ =	sdelay $0x3  }
0x97: {  	_ =	strace s8  }
0x98: {  	s8 =	sld [smem:$0x3FFC];
	_ =	sdelay $0x3  }
0x99: {  	_ =	strace s8  }
0x9a: {  	s8 =	sld [smem:$0x3FFD];
	_ =	sdelay $0x3  }
0x9b: {  	_ =	strace s8  }
0x9c: {  	_ =	strace $0x8FFFFFFF  }
0x9d: {  	s20 =	sld [smem:$0x3FDB];
	_ =	sdelay $0x1  }
0x9e: {  	s9 =	simm.s32 $_scs_section_size  }
0x9f: {  	s10 =	simm.s32 $_size__tile_overlayer_lowered;
	s11 =	simm.s32 $_tile_overlayer_lowered  }
0xa0: {  	s23 =	simm.s32 $0x1BFF;
	s22 =	sshll.u32 s11, $0x1;
	s8 =	sadd.s32 s9, s20  }
0xa1: {  	s12 =	simm.s32 $0x0;
	s21 =	sshll.u32 s10, $0x1;
	s10 =	sadd.s32 s22, s8  }
0xa2: {  	[timem:s12], [sflag:s23] =	dma.local [hbm:s10], s21  }
0xa3: {  	_ =	swait.ge [sflag:s23], s21  }
0xa4: {  	s9 =	ssub.s32 $0x0, s21;
	[sflag:s23] =	ssyncset.done $0x0  }
0xa5: {  	[sflag:s23] =	ssyncadd.s32 s9;
	_ =	sdelay $0x1  }
0xa6: {  	s24 =	simm.s32 $0x1B8B  }
0xa7: {  	_ =	swait.ge [sflag:s24], $0x1  }
0xa8: {  	[sflag:s24] =	ssyncset.done $0x0  }
0xa9: {  	s25 =	simm.s32 $0x1B8E;
	[sflag:s24] =	ssyncadd.s32 $0xFFFFFFFF  }
0xaa: {  	s26 =	simm.s32 $execute0_lowered;
	[smem:$0x3FD2] =	sst s25  }
0xab: {  	s9 =	sshll.u32 s26, $0x1;
	_ =	strace $0x80000046;
	[dreg:$0x1] =	wrdreg $0xFFFFFFFF  }
0xac: {  	s28 =	simm.s32 $_size_execute0_lowered;
	s8 =	sadd.s32 s8, s9;
	[dreg:$0x0] =	wrdreg $0x0  }
0xad: {  	s9 =	sshll.u32 s28, $0x1;
	[dreg:$0x2] =	wrdreg s8  }
0xae: {  	[dreg:$0x3] =	wrdreg s9  }
0xaf: {  	[dreg:$0x4] =	wrdreg $0xC0  }
0xb0: {  	_ =	task [dreg:s12], $0x5FFFF  }
0xb1: {  	[dreg:$0x1] =	wrdreg $0xFFFFFFFF  }
0xb2: {  	[dreg:$0x0] =	wrdreg $0x60  }
0xb3: {  	[dreg:$0x2] =	wrdreg s2  }
0xb4: {  	[dreg:$0x3] =	wrdreg s19  }
0xb5: {  	[dreg:$0x4] =	wrdreg s4  }
0xb6: {  	[dreg:$0x5] =	wrdreg s5  }
0xb7: {  	[dreg:$0x6] =	wrdreg s6  }
0xb8: {  	[dreg:$0x7] =	wrdreg s7  }
0xb9: {  	[dreg:$0x8] =	wrdreg $0xC3800  }
0xba: {  	[dreg:$0x9] =	wrdreg $0x9  }
0xbb: {  	_ =	task.clear_ibuf [dreg:s12], $0xAFFFF;
	_ =	strace $0x90000046  }
0xbc: {  	s29 =	simm.s32 $0x9;
	_ =	strace $0x80000048  }
0xbd: {  	_ =	swait.ge [sflag:s29], $0x1  }
0xbe: {  	[sflag:s29] =	ssyncadd.s32 $0xFFFFFFFF  }
0xbf: {  	_ =	strace $0x90000048  }
0xc0: {  	_ =	sfence  }
0xc1: {  	s30 =	sld [smem:$0x0];
	_ =	sdelay $0x2  }
0xc2: {  	s31 =	sshll.u32 s1, $0xD;
	s1 =	sshrl.u32 s1, $0x2  }
0xc3: {  	s3 =	sand.u32 $0x4000, s31;
	s1 =	sadd.s32 s1, s30  }
0xc4: {  	s0 =	sor.u32 s3, s0;
	s1 =	sshll.u32 s1, $0x11  }
0xc5: {  	s0 =	sor.u32 s1, s0  }
0xc6: {  	s0 =	sadd.s32 $0x8F2B, s0  }
0xc7: {  	[sflag:s0] =	ssyncadd.remote.s32 $0x1  }
0xc8: {  	_ =	sfence.sel $0xFFFF  }
0xc9: {  	[dreg:$0x0] =	wrdreg $0xFFFFFFFF;
	(pc) =	sbr.abs _section_cstart, $3  }
0xca: {  	[dreg:$0x1] =	wrdreg $0xFFFFFFFF  }
0xcb: {  	_ =	task.clear_ibuf [dreg:s12], $0x2FFFF;
	_ =	strace $0x9FFFFFFF  }
0xcc: {  	(tm) =	ssettm $0x7FFFFFFF  }
0xcd: {  	_ =	shalt  }
tec
execute0_lowered:
.L_overlay_start_1:
0x0: {  	(tag) =	ssettag $0x1  }
0x1: {  	s0 =	rddreg [dreg:$0x5]  }
0x2: {  	s5 =	rddreg [dreg:$0x6]  }
0x3: {  	s1 =	srdreg.scid;
	s2 =	stileid.u32  }
0x4: {  	s28 =	simm.s32 $0x0;
	s1 =	sand.u32 $0x1, s1;
	s3 =	sshll.u32 s2, $0x1  }
0x5: {  	[smem:$0x7FF] =	sst s28;
	s4 =	ssub.s32 $0x2, s1;
	s3 =	sor.u32 s1, s3  }
0x6: {  	_ =	strace $0x80000047;
	[smem:$0x7FA] =	sst s3;
	s3 =	sshll.u32 s3, $0x4  }
0x7: {  	s30 =	sshrl.u32 s4, $0x1;
	s3 =	sand.u32 $0x70, s3  }
0x8: {  	s1 =	ssub.s32 s4, s30;
	s0 =	sadd.s32 s0, s3  }
0x9: {  	p0 =	sne.s32 s2, $0x0;
	s31 =	smax.u32 s1, $0x1;
	[smem:$0x7FB] =	sst s0  }
0xa: {  	[smem:$0x7FC] =	sst s31;
	s0 =	sshrl.u32 @!p0 s5, $0x3  }
0xb: {  	s2 =	simm.s32 $0x0;
	[smem:$0x7FD] =	sst s0  }
.LBB2_1:
0xc: {  	[smem:$0x7F9] =	sst s2  }
0xd: {  	s2 =	sld [smem:$0x7FD];
	_ =	sdelay $0x1  }
0xe: {  	s0 =	simm.s32 @!p0 $0x1C01;
	s1 =	rddreg [dreg:$0x4]  }
0xf: {  	[spmem:s2], [sflag:s0] =	dma.local @!p0 [hbm:s1], $0x1870  }
0x10: {  	s0 =	simm.s32 @!p0 $0x1  }
0x11: {  	_ =	swait.ge @!p0 [sflag:s0], $0x1870  }
0x12: {  	[sflag:s0] =	ssyncset.done @!p0 $0x0  }
0x13: {  	[sflag:s0] =	ssyncadd.s32 @!p0 $0xFFFFE790  }
0x14: {  	s20 =	simm.s32 $0xCFB8;
	s0 =	rddreg [dreg:$0x0]  }
0x15: {  	[tilespmem:s20], [sflag:$0x1] =	stream.linear.gather [hbm4b:s0+s28], $0x800, $0x38;
	[tilespmem:$0x1EFB8] =	vst v63  }
0x16: {  	s22 =	simm.s32 $0xD7B8;
	s21 =	rddreg [dreg:$0x1]  }
0x17: {  	[tilespmem:s22], [sflag:$0x1] =	stream.linear.gather [hbm4b:s21+s28], $0x800, $0x38;
	[tilespmem:$0x1EFB8] =	vst v63  }
0x18: {  	s24 =	simm.s32 $0xDFB8;
	s23 =	rddreg [dreg:$0x3]  }
0x19: {  	[tilespmem:s24], [sflag:$0x1] =	stream.linear.gather [hbm4b:s23+s28], $0x800, $0x38;
	[tilespmem:$0x1EFB8] =	vst v63  }
0x1a: {  	s26 =	simm.s32 $0xE7B8;
	s29 =	simm.s32 $0x1;
	s25 =	rddreg [dreg:$0x2]  }
0x1b: {  	[tilespmem:s26], [sflag:$0x1] =	stream.linear.gather [hbm4b:s25+s28], $0x800, $0x38;
	[tilespmem:$0x1EFB8] =	vst v63  }
0x1c: {  	_ =	swait.ge [sflag:s29], $0x800  }
0x1d: {  	[sflag:s29] =	ssyncset.done $0x0  }
0x1e: {  	[sflag:s29] =	ssyncadd.s32 $0xFFFFF800  }
0x1f: {  	_ =	swait.ge [sflag:s29], $0x800  }
0x20: {  	[sflag:s29] =	ssyncset.done $0x0  }
0x21: {  	[sflag:s29] =	ssyncadd.s32 $0xFFFFF800  }
0x22: {  	_ =	swait.ge [sflag:s29], $0x800  }
0x23: {  	[sflag:s29] =	ssyncset.done $0x0  }
0x24: {  	[sflag:s29] =	ssyncadd.s32 $0xFFFFF800  }
0x25: {  	_ =	swait.ge [sflag:s29], $0x800  }
0x26: {  	[sflag:s29] =	ssyncset.done $0x0  }
0x27: {  	[sflag:s29] =	ssyncadd.s32 $0xFFFFF800  }
0x28: {  	[bflag:$0x0] =	sbarrier.arrive $0xFFFF  }
0x29: {  	s31 =	simm.s32 $0x4;
	s30 =	rddreg [dreg:$0x6]  }
0x2a: {  	[tilespmem:s28], [sflag:$0x4] =	stream.linear.gather [spmem:s30], $0xC380, $0x38;
	[tilespmem:$0x1EFB8] =	vst v63  }
0x2b: {  	_ =	swait.ge [sflag:s31], $0xC380  }
0x2c: {  	[sflag:s31] =	ssyncset.done $0x0  }
0x2d: {  	s2 =	simm.s32 $0x0;
	[sflag:s31] =	ssyncadd.s32 $0xFFFF3C80  }
.LBB2_2:
0x2e: {  	s1 =	sld [smem:$0x7FA];
	_ =	sdelay $0x1  }
0x2f: {  	s0 =	sshll.u32 s2, $0x6  }
0x30: {  	[smem:$0x7F7] =	sst s2;
	p1 =	seq.s32 s2, $0x0;
	s0 =	sor.u32 s1, s0  }
0x31: {  	s24 =	simm.s32 $0x0;
	s1 =	simm.s32 @!p1 $0x2;
	[smem:$0x7F8] =	sst s0  }
0x32: {  	s10 =	sand.u32 $0x40, s24;
	v2 =	vmov s0;
	_ =	swait.ge @!p1 [sflag:s1], $0x6000  }
0x33: {  	s3 =	sand.u32 $0x780, s24;
	s14 =	sor.u32 $0x30, s10;
	[sflag:s1] =	ssyncset.done @!p1 $0x0  }
0x34: {  	s4 =	sor.u32 s3, s14;
	[sflag:s1] =	ssyncadd.s32 @!p1 $0xFFFFA000  }
0x35: {  	s26 =	simm.s32 $0xD7B8;
	v3 =	vld [tilespmem:s4+$0xCFB8]  }
0x36: {  	s25 =	simm.s32 $0xCFB8;
	v4 =	vld [tilespmem:s26+$0x0]  }
0x37: {  	v0 =	vld.idx.msk [tilespmem:v2+s25+$0x0], $0xffff  }
0x38: {  	v5 =	vld [tilespmem:s4+$0xD7B8]  }
0x39: {  	v1 =	vld.idx.msk [tilespmem:v2+s26+$0x0], $0xffff  }
0x3a: {  	v6 =	vld [tilespmem:s25+$0x0];
	_ =	sdelay $0x1  }
0x3b: {  	v3 =	vsub.s32 v0, v3  }
0x3c: {  	s6 =	simm.s32 $0xDFB8;
	vm0 =	vgt.s32 v3, $0xFFFFFFE3  }
0x3d: {  	s5 =	simm.s32 $0xE7B8;
	s21 =	sor.u32 $0x10, s10;
	v8 =	vld [tilespmem:s6+$0x0];
	v4 =	vsub.s32 v1, v4;
	v5 =	vsub.s32 v1, v5;
	v7 =	vnsel vm0, $0xFFFFFFE3, v3  }
0x3e: {  	s7 =	sor.u32 s3, s21;
	vm1 =	vgt.s32 v5, $0xFFFFFFC4;
	v3 =	vld.idx.msk [tilespmem:v2+s5+$0x0], $0xffff;
	v2 =	vsub.s32 v0, v6;
	vm0 =	vlt.s32 v7, $0x1D  }
0x3f: {  	s11 =	sor.u32 $0x20, s10;
	v9 =	vld [tilespmem:s7+$0xCFB8];
	v5 =	vnsel vm1, $0xFFFFFFC4, v5;
	vm2 =	vgt.s32 v2, $0xFFFFFFE3;
	v6 =	vnsel vm0, $0x1D, v7  }
0x40: {  	s8 =	sor.u32 s3, s11;
	vm4 =	vlt.s32 v5, $0x3C;
	v2 =	vnsel vm2, $0xFFFFFFE3, v2;
	v7 =	vld [tilespmem:s4+$0xDFB8];
	v6 =	vmul.u32 $0x79, v6  }
0x41: {  	v12 =	vld [tilespmem:s8+$0xD7B8];
	vm5 =	vgt.s32 v4, $0xFFFFFFC4;
	v5 =	vnsel vm4, $0x3C, v5;
	vm2 =	vlt.s32 v2, $0x1D  }
0x42: {  	v11 =	vld [tilespmem:s7+$0xD7B8];
	v4 =	vnsel vm5, $0xFFFFFFC4, v4;
	v2 =	vnsel vm2, $0x1D, v2;
	v5 =	vadd.s32 v5, v6  }
0x43: {  	vm6 =	vlt.s32 v4, $0x3C;
	v2 =	vmul.u32 $0x79, v2;
	v5 =	vmul.u32 $0x7, v5  }
0x44: {  	v10 =	vld [tilespmem:s8+$0xCFB8];
	v4 =	vnsel vm6, $0x3C, v4  }
0x45: {  	v2 =	vadd.s32 v4, v2;
	vm7 =	veq.s32 v3, v7;
	v4 =	vadd.s32 $0x6197, v5  }
0x46: {  	vm8 =	veq.s32 v3, v8;
	v8 =	vsub.s32 v1, v12;
	v6 =	vnsel vm7, $0xC335, v4  }
0x47: {  	vm4 =	vgt.s32 v8, $0xFFFFFFC4;
	v7 =	vsub.s32 v1, v11;
	v5 =	vsub.s32 v0, v9  }
0x48: {  	v8 =	vnsel vm4, $0xFFFFFFC4, v8;
	v2 =	vmul.u32 $0x7, v2;
	vm9 =	vgt.s32 v5, $0xFFFFFFE3  }
0x49: {  	vm11 =	vgt.s32 v7, $0xFFFFFFC4;
	v4 =	vsub.s32 v0, v10;
	v5 =	vnsel vm9, $0xFFFFFFE3, v5  }
0x4a: {  	vm13 =	vlt.s32 v8, $0x3C;
	v10 =	vld [tilespmem:s7+$0xDFB8];
	vm10 =	vgt.s32 v4, $0xFFFFFFE3;
	vm1 =	vlt.s32 v5, $0x1D  }
0x4b: {  	v7 =	vnsel vm11, $0xFFFFFFC4, v7;
	v4 =	vnsel vm10, $0xFFFFFFE3, v4;
	v5 =	vnsel vm1, $0x1D, v5;
	v11 =	vld.idx.msk [tilespmem:v6+s28+$0x0], $0xffff  }
0x4c: {  	vm12 =	vlt.s32 v7, $0x3C;
	vm3 =	vlt.s32 v4, $0x1D;
	v5 =	vmul.u32 $0x79, v5  }
0x4d: {  	v2 =	vadd.s32 $0x6197, v2;
	v7 =	vnsel vm12, $0x3C, v7;
	v4 =	vnsel vm3, $0x1D, v4  }
0x4e: {  	s0 =	sand.u32 $0x3C00, s24;
	s6 =	simm.s32 $0x40;
	v12 =	vld [tilespmem:s8+$0xDFB8];
	v4 =	vmul.u32 $0x79, v4;
	v5 =	vadd.s32 v7, v5;
	v7 =	vadd.s32 $0x1, v6  }
0x4f: {  	s9 =	sadd.s32 $0xEFB8, s0;
	s2 =	sand.u32 $0x40, s6;
	v9 =	vnsel vm8, $0xC335, v2;
	v2 =	vnsel vm13, $0x3C, v8;
	v5 =	vmul.u32 $0x7, v5  }
0x50: {  	s12 =	sadd.s32 s14, s9;
	s6 =	sand.u32 $0x780, s6;
	s1 =	sor.u32 $0x10, s2;
	vm14 =	veq.s32 v3, v10;
	v2 =	vadd.s32 v2, v4;
	v4 =	vshll.u32 v11, $0x10  }
0x51: {  	s22 =	sor.u32 s6, s1;
	v2 =	vmul.u32 $0x7, v2;
	v5 =	vadd.s32 $0x6197, v5;
	v8 =	vand.u32 $0xFFFF0000, v11;
	[tilespmem:s12+$0x0] =	vst v4  }
0x52: {  	v22 =	vld [tilespmem:s22+$0xD7B8];
	v4 =	vnsel vm14, $0xC335, v5;
	[tilespmem:s12+$0x80] =	vst v8  }
0x53: {  	s15 =	simm.s32 $0xCFF8;
	vm15 =	veq.s32 v3, v12;
	v2 =	vadd.s32 $0x6197, v2;
	v7 =	vld.idx.msk [tilespmem:v7+s28+$0x0], $0xffff  }
0x54: {  	v10 =	vld [tilespmem:s15+$0x0];
	v5 =	vnsel vm15, $0xC335, v2  }
0x55: {  	s13 =	simm.s32 $0xD7F8;
	v8 =	vld.idx.msk [tilespmem:v9+s28+$0x0], $0xffff  }
0x56: {  	v11 =	vadd.s32 $0x2, v6;
	v2 =	vld [tilespmem:s13+$0x0]  }
0x57: {  	v12 =	vld.idx.msk [tilespmem:v4+s28+$0x0], $0xffff  }
0x58: {  	v13 =	vadd.s32 $0x1, v9;
	v14 =	vshll.u32 v7, $0x10  }
0x59: {  	v15 =	vld.idx.msk [tilespmem:v5+s28+$0x0], $0xffff;
	v7 =	vand.u32 $0xFFFF0000, v7;
	[tilespmem:s12+$0x100] =	vst v14  }
0x5a: {  	p2 =	por $0x0, $0x0;
	s3 =	simm.s32 $0x1;
	s16 =	sor.u32 s10, s9;
	v14 =	vshll.u32 v8, $0x10;
	[tilespmem:s12+$0x180] =	vst v7  }
0x5b: {  	s3 =	simm.s32 @!p2 $0x0;
	v22 =	vsub.s32 v1, v22;
	v16 =	vadd.s32 $0x1, v4;
	v7 =	vand.u32 $0xFFFF0000, v8;
	[tilespmem:s16+$0x0] =	vst v14;
	v11 =	vld.idx.msk [tilespmem:v11+s28+$0x0], $0xffff  }
0x5c: {  	s17 =	sadd.s32 s21, s9;
	s23 =	sor.u32 $0x30, s2;
	s29 =	sor.u32 $0x20, s2;
	v2 =	vsub.s32 v1, v2;
	[tilespmem:s16+$0x80] =	vst v7;
	v7 =	vsub.s32 v0, v10;
	v10 =	vshll.u32 v12, $0x10  }
0x5d: {  	s5 =	sshll.u32 s3, $0x6;
	v25 =	vadd.s32 $0x5, v6;
	vm5 =	vgt.s32 v2, $0xFFFFFFC4;
	s12 =	sor.u32 s6, s23;
	s6 =	sor.u32 s6, s29;
	v13 =	vld.idx.msk [tilespmem:v13+s28+$0x0], $0xffff;
	v12 =	vand.u32 $0xFFFF0000, v12;
	[tilespmem:s17+$0x0] =	vst v10  }
0x5e: {  	s18 =	sadd.s32 s11, s9;
	s5 =	sadd.s32 $0x0, s5;
	v8 =	vadd.s32 $0x1, v5;
	v21 =	vld [tilespmem:s6+$0xCFB8];
	vm4 =	vgt.s32 v7, $0xFFFFFFE3;
	v14 =	vand.u32 $0xFFFF0000, v15;
	[tilespmem:s17+$0x80] =	vst v12  }
0x5f: {  	s9 =	sadd.s32 $0x30, s5;
	v23 =	vld [tilespmem:s12+$0xDFB8];
	v7 =	vnsel vm4, $0xFFFFFFE3, v7;
	v10 =	vshll.u32 v15, $0x10;
	v12 =	vadd.s32 $0x3, v6;
	[tilespmem:s18+$0x80] =	vst v14  }
0x60: {  	s19 =	sor.u32 $0x200, s9;
	s8 =	simm.s32 $0xDFF8;
	v2 =	vnsel vm5, $0xFFFFFFC4, v2;
	vm0 =	vlt.s32 v7, $0x1D;
	v15 =	vld.idx.msk [tilespmem:v16+s28+$0x0], $0xffff;
	[tilespmem:s18+$0x0] =	vst v10;
	v14 =	vshll.u32 v11, $0x10  }
0x61: {  	s20 =	sor.u32 $0x280, s9;
	vm6 =	vlt.s32 v2, $0x3C;
	v10 =	vld [tilespmem:s8+$0x0];
	v7 =	vnsel vm0, $0x1D, v7;
	v11 =	vand.u32 $0xFFFF0000, v11;
	[tilespmem:s19+$0xEFB8] =	vst v14  }
0x62: {  	v7 =	vmul.u32 $0x79, v7;
	v17 =	vshll.u32 v13, $0x10;
	v13 =	vand.u32 $0xFFFF0000, v13;
	[tilespmem:s20+$0xEFB8] =	vst v11;
	v11 =	vld [tilespmem:s12+$0xCFB8]  }
0x63: {  	vm15 =	vgt.s32 v22, $0xFFFFFFC4;
	v18 =	vadd.s32 $0x2, v5;
	v2 =	vnsel vm6, $0x3C, v2;
	[tilespmem:s16+$0x180] =	vst v13;
	v13 =	vld [tilespmem:s12+$0xD7B8]  }
0x64: {  	v19 =	vadd.s32 $0x3, v5;
	v16 =	vadd.s32 $0x2, v9;
	v2 =	vadd.s32 v2, v7;
	v7 =	vld.idx.msk [tilespmem:v12+s28+$0x0], $0xffff  }
0x65: {  	v21 =	vsub.s32 v0, v21;
	vm13 =	veq.s32 v3, v23;
	v14 =	vadd.s32 $0x2, v4  }
0x66: {  	vm12 =	vgt.s32 v21, $0xFFFFFFE3;
	[tilespmem:s16+$0x100] =	vst v17;
	v17 =	vadd.s32 $0x3, v4;
	v12 =	vshll.u32 v15, $0x10  }
0x67: {  	v8 =	vld.idx.msk [tilespmem:v8+s28+$0x0], $0xffff;
	vm7 =	veq.s32 v3, v10;
	v10 =	vadd.s32 $0x4, v6;
	v11 =	vsub.s32 v0, v11  }
0x68: {  	v2 =	vmul.u32 $0x7, v2;
	v15 =	vand.u32 $0xFFFF0000, v15;
	[tilespmem:s17+$0x100] =	vst v12;
	vm8 =	vgt.s32 v11, $0xFFFFFFE3  }
0x69: {  	s24 =	sor.u32 $0x300, s9;
	v16 =	vld.idx.msk [tilespmem:v16+s28+$0x0], $0xffff;
	[tilespmem:s17+$0x180] =	vst v15;
	v13 =	vsub.s32 v1, v13;
	v20 =	vshll.u32 v7, $0x10;
	v11 =	vnsel vm8, $0xFFFFFFE3, v11  }
0x6a: {  	s25 =	sor.u32 $0x380, s9;
	v15 =	vld [tilespmem:s22+$0xCFB8];
	v7 =	vand.u32 $0xFFFF0000, v7;
	vm9 =	vgt.s32 v13, $0xFFFFFFC4;
	[tilespmem:s24+$0xEFB8] =	vst v20;
	vm0 =	vlt.s32 v11, $0x1D  }
0x6b: {  	v2 =	vadd.s32 $0x6197, v2;
	v14 =	vld.idx.msk [tilespmem:v14+s28+$0x0], $0xffff;
	v13 =	vnsel vm9, $0xFFFFFFC4, v13;
	[tilespmem:s25+$0xEFB8] =	vst v7;
	v11 =	vnsel vm0, $0x1D, v11  }
0x6c: {  	v12 =	vshll.u32 v8, $0x10;
	vm10 =	vlt.s32 v13, $0x3C;
	v10 =	vld.idx.msk [tilespmem:v10+s28+$0x0], $0xffff;
	v11 =	vmul.u32 $0x79, v11  }
0x6d: {  	v8 =	vand.u32 $0xFFFF0000, v8;
	v2 =	vnsel vm7, $0xC335, v2;
	v13 =	vnsel vm10, $0x3C, v13  }
0x6e: {  	v20 =	vshll.u32 v16, $0x10;
	v7 =	vand.u32 $0xFFFF0000, v16;
	v11 =	vadd.s32 v13, v11  }
0x6f: {  	v16 =	vadd.s32 $0x3, v9;
	v15 =	vsub.s32 v0, v15;
	v13 =	vld [tilespmem:s6+$0xD7B8];
	v6 =	vmul.u32 $0x7, v11  }
0x70: {  	[tilespmem:s18+$0x100] =	vst v12;
	v24 =	vshll.u32 v14, $0x10;
	v14 =	vand.u32 $0xFFFF0000, v14;
	vm11 =	vgt.s32 v15, $0xFFFFFFE3  }
0x71: {  	s26 =	sadd.s32 $0x10, s5;
	s13 =	sor.u32 $0x200, s5;
	[tilespmem:s18+$0x180] =	vst v8;
	v11 =	vnsel vm11, $0xFFFFFFE3, v15;
	v15 =	vshll.u32 v10, $0x10;
	v6 =	vadd.s32 $0x6197, v6  }
0x72: {  	s7 =	sor.u32 $0x200, s26;
	v8 =	vld [tilespmem:s22+$0xDFB8];
	[tilespmem:s13+$0xEFB8] =	vst v20;
	vm14 =	vlt.s32 v11, $0x1D;
	v10 =	vand.u32 $0xFFFF0000, v10;
	v12 =	vnsel vm13, $0xC335, v6  }
0x73: {  	s12 =	sor.u32 $0x280, s26;
	[tilespmem:s7+$0xEFB8] =	vst v24;
	v11 =	vnsel vm14, $0x1D, v11;
	v6 =	vld.idx.msk [tilespmem:v18+s28+$0x0], $0xffff;
	v18 =	vnsel vm12, $0xFFFFFFE3, v21;
	v21 =	vnsel vm15, $0xFFFFFFC4, v22  }
0x74: {  	s15 =	sor.u32 $0x280, s5;
	s8 =	sadd.s32 $0x12FB8, s0;
	[tilespmem:s12+$0xEFB8] =	vst v14;
	v11 =	vmul.u32 $0x79, v11;
	v13 =	vsub.s32 v1, v13;
	vm5 =	vlt.s32 v21, $0x3C  }
0x75: {  	s4 =	sadd.s32 $0x13038, s0;
	s16 =	sadd.s32 s14, s8;
	[tilespmem:s15+$0xEFB8] =	vst v7;
	v14 =	vld.idx.msk [tilespmem:v17+s28+$0x0], $0xffff;
	vm7 =	vlt.s32 v18, $0x1D;
	vm6 =	vgt.s32 v13, $0xFFFFFFC4;
	v17 =	vnsel vm5, $0x3C, v21  }
0x76: {  	s18 =	sadd.s32 s14, s4;
	[tilespmem:s16+$0x0] =	vst v15;
	v7 =	vnsel vm6, $0xFFFFFFC4, v13;
	v11 =	vadd.s32 v17, v11;
	v13 =	vnsel vm7, $0x1D, v18;
	v17 =	vld [tilespmem:s6+$0xDFB8]  }
0x77: {  	s17 =	sadd.s32 $0x20, s5;
	[tilespmem:s18+$0x0] =	vst v10;
	vm8 =	vlt.s32 v7, $0x3C;
	v11 =	vmul.u32 $0x7, v11;
	v10 =	vmul.u32 $0x79, v13;
	v15 =	vld.idx.msk [tilespmem:v12+s28+$0x0], $0xffff  }
0x78: {  	s13 =	sor.u32 $0x200, s17;
	vm9 =	veq.s32 v3, v8;
	v13 =	vld.idx.msk [tilespmem:v2+s28+$0x0], $0xffff;
	v8 =	vshll.u32 v6, $0x10;
	v7 =	vnsel vm8, $0x3C, v7  }
0x79: {  	s20 =	simm.s32 $0x200;
	s19 =	sor.u32 $0x280, s17;
	v18 =	vand.u32 $0xFFFF0000, v6;
	v6 =	vadd.s32 $0x6197, v11;
	[tilespmem:s13+$0xEFB8] =	vst v8;
	v7 =	vadd.s32 v7, v10  }
0x7a: {  	s3 =	sand.u32 $0x3C00, s20;
	s22 =	sor.u32 $0x300, s26;
	v8 =	vshll.u32 v14, $0x10;
	v6 =	vnsel vm9, $0xC335, v6;
	[tilespmem:s19+$0xEFB8] =	vst v18;
	v7 =	vmul.u32 $0x7, v7  }
0x7b: {  	s24 =	sor.u32 $0x380, s26;
	s25 =	sadd.s32 $0xEFB8, s3;
	v10 =	vand.u32 $0xFFFF0000, v14;
	v11 =	vadd.s32 $0x1, v12;
	v14 =	vld.idx.msk [tilespmem:v16+s28+$0x0], $0xffff;
	[tilespmem:s22+$0xEFB8] =	vst v8  }
0x7c: {  	s15 =	sadd.s32 s23, s25;
	v8 =	vld.idx.msk [tilespmem:v19+s28+$0x0], $0xffff;
	[tilespmem:s24+$0xEFB8] =	vst v10;
	vm10 =	veq.s32 v3, v17;
	v7 =	vadd.s32 $0x6197, v7;
	v10 =	vshll.u32 v15, $0x10  }
0x7d: {  	s26 =	sor.u32 s2, s25;
	v18 =	vnsel vm10, $0xC335, v7;
	v7 =	vand.u32 $0xFFFF0000, v13;
	[tilespmem:s15+$0x0] =	vst v10  }
0x7e: {  	v16 =	vld.idx.msk [tilespmem:v25+s28+$0x0], $0xffff;
	v10 =	vand.u32 $0xFFFF0000, v15;
	[tilespmem:s26+$0x80] =	vst v7  }
0x7f: {  	s6 =	simm.s32 $0xD038;
	v15 =	vshll.u32 v13, $0x10;
	[tilespmem:s15+$0x80] =	vst v10;
	v10 =	vld.idx.msk [tilespmem:v6+s28+$0x0], $0xffff  }
0x80: {  	s7 =	sor.u32 $0x300, s5;
	v19 =	vld [tilespmem:s6+$0x0];
	v13 =	vadd.s32 $0x1, v2;
	v21 =	vshll.u32 v14, $0x10;
	[tilespmem:s26+$0x0] =	vst v15  }
0x81: {  	s12 =	sor.u32 $0x380, s17;
	s16 =	sor.u32 $0x300, s17;
	s17 =	simm.s32 $0xD838;
	[tilespmem:s7+$0xEFB8] =	vst v21;
	v11 =	vld.idx.msk [tilespmem:v11+s28+$0x0], $0xffff;
	v7 =	vshll.u32 v8, $0x10  }
0x82: {  	v20 =	vld [tilespmem:s17+$0x0];
	v17 =	vadd.s32 $0x4, v4;
	v8 =	vand.u32 $0xFFFF0000, v8;
	[tilespmem:s16+$0xEFB8] =	vst v7  }
0x83: {  	s5 =	sor.u32 $0x380, s5;
	v22 =	vadd.s32 $0x2, v12;
	[tilespmem:s12+$0xEFB8] =	vst v8;
	v8 =	vand.u32 $0xFFFF0000, v14;
	v14 =	vld.idx.msk [tilespmem:v18+s28+$0x0], $0xffff  }
0x84: {  	v24 =	vand.u32 $0xFFFF0000, v16;
	v15 =	vadd.s32 $0x5, v5;
	s16 =	sadd.s32 s1, s25;
	[tilespmem:s5+$0xEFB8] =	vst v8;
	v23 =	vshll.u32 v10, $0x10  }
0x85: {  	v21 =	vshll.u32 v16, $0x10;
	v19 =	vsub.s32 v0, v19;
	v13 =	vld.idx.msk [tilespmem:v13+s28+$0x0], $0xffff;
	v10 =	vand.u32 $0xFFFF0000, v10;
	[tilespmem:s16+$0x0] =	vst v23  }
0x86: {  	v7 =	vadd.s32 $0x4, v5;
	v8 =	vadd.s32 $0x1, v6;
	v16 =	vshll.u32 v11, $0x10;
	[tilespmem:s16+$0x80] =	vst v10  }
0x87: {  	v5 =	vadd.s32 $0x4, v9;
	vm11 =	vgt.s32 v19, $0xFFFFFFE3;
	v11 =	vand.u32 $0xFFFF0000, v11;
	[tilespmem:s15+$0x100] =	vst v16;
	v16 =	vld.idx.msk [tilespmem:v17+s28+$0x0], $0xffff  }
0x88: {  	s9 =	sadd.s32 s29, s25;
	v17 =	vsub.s32 v1, v20;
	[tilespmem:s15+$0x180] =	vst v11;
	v11 =	vnsel vm11, $0xFFFFFFE3, v19;
	v19 =	vshll.u32 v14, $0x10  }
0x89: {  	p2 =	por !p2, !p2;
	s5 =	simm.s32 $0x1;
	vm12 =	vgt.s32 v17, $0xFFFFFFC4;
	vm0 =	vlt.s32 v11, $0x1D;
	v14 =	vand.u32 $0xFFFF0000, v14;
	v20 =	vld.idx.msk [tilespmem:v22+s28+$0x0], $0xffff;
	[tilespmem:s9+$0x0] =	vst v19  }
0x8a: {  	s5 =	simm.s32 @!p2 $0x0;
	v10 =	vnsel vm12, $0xFFFFFFC4, v17;
	v11 =	vnsel vm0, $0x1D, v11;
	v17 =	vshll.u32 v13, $0x10;
	[tilespmem:s9+$0x80] =	vst v14  }
0x8b: {  	s5 =	sshll.u32 s5, $0x6;
	v13 =	vand.u32 $0xFFFF0000, v13;
	v14 =	vld.idx.msk [tilespmem:v8+s28+$0x0], $0xffff;
	vm13 =	vlt.s32 v10, $0x3C;
	v11 =	vmul.u32 $0x79, v11;
	[tilespmem:s26+$0x100] =	vst v17  }
0x8c: {  	s22 =	sadd.s32 s21, s8;
	v26 =	vld.idx.msk [tilespmem:v7+s28+$0x0], $0xffff;
	s15 =	sadd.s32 $0x200, s5;
	[tilespmem:s26+$0x180] =	vst v13;
	v7 =	vnsel vm13, $0x3C, v10;
	v10 =	vadd.s32 $0x3, v12;
	v8 =	vshll.u32 v16, $0x10  }
0x8d: {  	s24 =	sadd.s32 s21, s4;
	s18 =	sadd.s32 $0x30, s15;
	v17 =	vand.u32 $0xFFFF0000, v16;
	[tilespmem:s22+$0x0] =	vst v8  }
0x8e: {  	v23 =	vadd.s32 $0x1, v18;
	v27 =	vld.idx.msk [tilespmem:v5+s28+$0x0], $0xffff;
	s25 =	sor.u32 $0x200, s18;
	v5 =	vadd.s32 v7, v11;
	v7 =	vshll.u32 v20, $0x10;
	[tilespmem:s24+$0x0] =	vst v17;
	s24 =	simm.s32 $0x80  }
0x8f: {  	s31 =	simm.s32 $0xE038;
	s26 =	sor.u32 $0x280, s18;
	[tilespmem:s25+$0xEFB8] =	vst v7;
	v7 =	vand.u32 $0xFFFF0000, v20;
	s5 =	sand.u32 $0x40, s24  }
0x90: {  	v25 =	vadd.s32 $0x2, v2;
	v22 =	vld [tilespmem:s31+$0x0];
	v20 =	vshll.u32 v14, $0x10;
	[tilespmem:s26+$0xEFB8] =	vst v7;
	s19 =	sand.u32 $0x780, s24;
	s13 =	sor.u32 $0x30, s5  }
0x91: {  	v14 =	vand.u32 $0xFFFF0000, v14;
	[tilespmem:s16+$0x100] =	vst v20;
	v20 =	vld.idx.msk [tilespmem:v10+s28+$0x0], $0xffff;
	s20 =	sor.u32 s19, s13  }
0x92: {  	[tilespmem:s16+$0x180] =	vst v14;
	v14 =	vld [tilespmem:s20+$0xCFB8]  }
0x93: {  	v4 =	vadd.s32 $0x5, v4;
	v11 =	vld.idx.msk [tilespmem:v23+s28+$0x0], $0xffff  }
0x94: {  	s17 =	sadd.s32 $0x130B8, s0;
	v13 =	vadd.s32 $0x2, v6;
	v5 =	vmul.u32 $0x7, v5;
	v30 =	vld [tilespmem:s20+$0xD7B8]  }
0x95: {  	s0 =	sadd.s32 $0x13138, s0;
	v32 =	vadd.s32 $0x4, v12;
	v19 =	vadd.s32 $0x3, v18;
	v23 =	vld.idx.msk [tilespmem:v25+s28+$0x0], $0xffff;
	v25 =	vshll.u32 v26, $0x10;
	s25 =	sadd.s32 s14, s17  }
0x96: {  	s7 =	sadd.s32 s14, s0;
	vm14 =	veq.s32 v3, v22;
	v17 =	vadd.s32 $0x2, v18;
	v5 =	vadd.s32 $0x6197, v5;
	[tilespmem:s25+$0x0] =	vst v21  }
0x97: {  	v7 =	vadd.s32 $0x4, v18;
	s16 =	sor.u32 $0x300, s18;
	[tilespmem:s7+$0x0] =	vst v24;
	v35 =	vshll.u32 v20, $0x10;
	v14 =	vsub.s32 v0, v14  }
0x98: {  	v22 =	vld.idx.msk [tilespmem:v4+s28+$0x0], $0xffff;
	s18 =	sor.u32 $0x380, s18;
	v4 =	vnsel vm14, $0xC335, v5;
	v20 =	vand.u32 $0xFFFF0000, v20;
	[tilespmem:s16+$0xEFB8] =	vst v35;
	vm15 =	vgt.s32 v14, $0xFFFFFFE3  }
0x99: {  	v13 =	vld.idx.msk [tilespmem:v13+s28+$0x0], $0xffff;
	v29 =	vshll.u32 v11, $0x10;
	v30 =	vsub.s32 v1, v30;
	[tilespmem:s18+$0xEFB8] =	vst v20;
	v14 =	vnsel vm15, $0xFFFFFFE3, v14  }
0x9a: {  	s12 =	sor.u32 $0x10, s5;
	v11 =	vand.u32 $0xFFFF0000, v11;
	[tilespmem:s9+$0x100] =	vst v29;
	vm4 =	vgt.s32 v30, $0xFFFFFFC4;
	v29 =	vld.idx.msk [tilespmem:v32+s28+$0x0], $0xffff;
	vm0 =	vlt.s32 v14, $0x1D  }
0x9b: {  	s26 =	sor.u32 $0x200, s15;
	s14 =	sor.u32 $0x20, s5;
	v31 =	vshll.u32 v23, $0x10;
	s22 =	sor.u32 s19, s12;
	[tilespmem:s9+$0x180] =	vst v11;
	v30 =	vnsel vm4, $0xFFFFFFC4, v30;
	v14 =	vnsel vm0, $0x1D, v14  }
0x9c: {  	s7 =	sor.u32 $0x280, s15;
	v23 =	vand.u32 $0xFFFF0000, v23;
	s19 =	sor.u32 s19, s14;
	v21 =	vld [tilespmem:s22+$0xCFB8];
	[tilespmem:s26+$0xEFB8] =	vst v31;
	vm5 =	vlt.s32 v30, $0x3C;
	v14 =	vmul.u32 $0x79, v14  }
0x9d: {  	v5 =	vadd.s32 $0x5, v18;
	v18 =	vadd.s32 $0x5, v9;
	v9 =	vld [tilespmem:s19+$0xCFB8];
	[tilespmem:s7+$0xEFB8] =	vst v23;
	s16 =	sadd.s32 s11, s8;
	s18 =	sadd.s32 $0x10, s15;
	v30 =	vnsel vm5, $0x3C, v30  }
0x9e: {  	v62 =	vshll.u32 v13, $0x10;
	[tilespmem:s16+$0x0] =	vst v25;
	s25 =	sor.u32 $0x200, s18;
	v23 =	vadd.s32 v30, v14;
	v30 =	vld [tilespmem:s20+$0xDFB8];
	s20 =	sadd.s32 $0x12FB8, s3  }
0x9f: {  	v63 =	vld [tilespmem:s19+$0xD7B8];
	[tilespmem:s25+$0xEFB8] =	vst v62;
	s25 =	sadd.s32 $0x13038, s3;
	v25 =	vshll.u32 v29, $0x10;
	s26 =	sadd.s32 s23, s20  }
0xa0: {  	v12 =	vadd.s32 $0x5, v12;
	v33 =	vld.idx.msk [tilespmem:v4+s28+$0x0], $0xffff;
	s7 =	sadd.s32 s23, s25;
	v29 =	vand.u32 $0xFFFF0000, v29;
	[tilespmem:s26+$0x0] =	vst v25  }
0xa1: {  	s30 =	sor.u32 s10, s0;
	s8 =	sor.u32 s10, s8;
	v20 =	vld [tilespmem:s22+$0xD7B8];
	[tilespmem:s7+$0x0] =	vst v29;
	s7 =	sor.u32 s10, s17  }
0xa2: {  	v36 =	vand.u32 $0xFFFF0000, v13;
	s26 =	sor.u32 s10, s4;
	v29 =	vld [tilespmem:s22+$0xDFB8];
	s10 =	sor.u32 $0x280, s18;
	[dreg:$0x9] =	wrdreg s7  }
0xa3: {  	v16 =	vadd.s32 $0x3, v6;
	s16 =	sadd.s32 s21, s17;
	s17 =	sadd.s32 s11, s17;
	[tilespmem:s10+$0xEFB8] =	vst v36  }
0xa4: {  	v26 =	vand.u32 $0xFFFF0000, v26;
	v28 =	vshll.u32 v27, $0x10;
	v27 =	vand.u32 $0xFFFF0000, v27;
	s21 =	sadd.s32 s21, s0;
	s0 =	sadd.s32 s11, s0;
	[dreg:$0xb] =	wrdreg s17  }
0xa5: {  	v8 =	vadd.s32 $0x4, v6;
	v6 =	vadd.s32 $0x5, v6;
	v10 =	vadd.s32 $0x4, v2;
	s4 =	sadd.s32 s11, s4;
	v12 =	vld.idx.msk [tilespmem:v12+s28+$0x0], $0xffff;
	[dreg:$0xc] =	wrdreg s0  }
0xa6: {  	v24 =	vadd.s32 $0x3, v2;
	v21 =	vsub.s32 v0, v21;
	v9 =	vsub.s32 v0, v9;
	[tilespmem:s4+$0x0] =	vst v26;
	v26 =	vld [tilespmem:s19+$0xDFB8];
	s19 =	sor.u32 s2, s20  }
0xa7: {  	v11 =	vadd.s32 $0x1, v4;
	vm6 =	vgt.s32 v21, $0xFFFFFFE3;
	vm7 =	vgt.s32 v9, $0xFFFFFFE3;
	[dreg:$0x10] =	wrdreg s19  }
0xa8: {  	v34 =	vshll.u32 v22, $0x10;
	v21 =	vnsel vm6, $0xFFFFFFE3, v21;
	v9 =	vnsel vm7, $0xFFFFFFE3, v9;
	s9 =	sadd.s32 s1, s20;
	s20 =	sadd.s32 s29, s20;
	[tilespmem:s8+$0x0] =	vst v28  }
0xa9: {  	vm9 =	vlt.s32 v9, $0x1D;
	v20 =	vsub.s32 v1, v20;
	v23 =	vmul.u32 $0x7, v23;
	s22 =	sor.u32 s2, s25;
	v17 =	vld.idx.msk [tilespmem:v17+s28+$0x0], $0xffff;
	[dreg:$0x19] =	wrdreg s20  }
0xaa: {  	vm0 =	vlt.s32 v21, $0x1D;
	vm8 =	vgt.s32 v20, $0xFFFFFFC4;
	v25 =	vsub.s32 v1, v63;
	[dreg:$0x12] =	wrdreg s22  }
0xab: {  	vm10 =	vgt.s32 v25, $0xFFFFFFC4;
	v23 =	vadd.s32 $0x6197, v23;
	vm11 =	veq.s32 v3, v30;
	s4 =	sadd.s32 s1, s25;
	s25 =	sadd.s32 s29, s25;
	[tilespmem:s26+$0x0] =	vst v27  }
0xac: {  	v30 =	vnsel vm9, $0x1D, v9;
	v9 =	vnsel vm11, $0xC335, v23;
	v23 =	vnsel vm10, $0xFFFFFFC4, v25;
	v25 =	vld.idx.msk [tilespmem:v16+s28+$0x0], $0xffff;
	s26 =	sadd.s32 $0x130B8, s3;
	[dreg:$0x14] =	wrdreg s25  }
0xad: {  	v22 =	vand.u32 $0xFFFF0000, v22;
	v21 =	vnsel vm0, $0x1D, v21;
	v20 =	vnsel vm8, $0xFFFFFFC4, v20;
	s11 =	sor.u32 s2, s26;
	[tilespmem:s16+$0x0] =	vst v34  }
0xae: {  	v13 =	vshll.u32 v33, $0x10;
	v21 =	vmul.u32 $0x79, v21;
	vm12 =	vlt.s32 v20, $0x3C;
	[dreg:$0x8] =	wrdreg s11  }
0xaf: {  	v20 =	vnsel vm12, $0x3C, v20;
	vm13 =	vlt.s32 v23, $0x3C;
	v16 =	vmul.u32 $0x79, v30;
	[tilespmem:s21+$0x0] =	vst v22;
	s21 =	sadd.s32 s1, s26  }
0xb0: {  	v20 =	vadd.s32 v20, v21;
	v23 =	vnsel vm13, $0x3C, v23;
	s3 =	sadd.s32 $0x13138, s3;
	v21 =	vshll.u32 v12, $0x10;
	s16 =	sadd.s32 s23, s26;
	[dreg:$0x17] =	wrdreg s21  }
0xb1: {  	v20 =	vmul.u32 $0x7, v20;
	s10 =	sor.u32 $0x380, s15;
	s22 =	sadd.s32 $0x20, s15;
	v12 =	vand.u32 $0xFFFF0000, v12;
	s19 =	sadd.s32 s23, s3;
	v16 =	vadd.s32 v23, v16;
	[tilespmem:s16+$0x0] =	vst v21  }
0xb2: {  	v14 =	vand.u32 $0xFFFF0000, v33;
	s8 =	simm.s32 $0x8;
	s17 =	sor.u32 s2, s3;
	s25 =	sor.u32 $0x200, s22;
	v24 =	vld.idx.msk [tilespmem:v24+s28+$0x0], $0xffff;
	v21 =	vmul.u32 $0x7, v16;
	[tilespmem:s19+$0x0] =	vst v12;
	v12 =	vshll.u32 v17, $0x10  }
0xb3: {  	vm14 =	veq.s32 v3, v29;
	s7 =	sadd.s32 s1, s3;
	s20 =	sadd.s32 s29, s3;
	vm15 =	veq.s32 v3, v26;
	s3 =	sor.u32 $0x300, s15;
	[tilespmem:s25+$0xEFB8] =	vst v12;
	v12 =	vadd.s32 $0x6197, v20;
	v20 =	vld.idx.msk [tilespmem:v9+s28+$0x0], $0xffff  }
0xb4: {  	s15 =	simm.s32 $0xD878;
	v22 =	vadd.s32 $0x1, v9;
	s21 =	sadd.s32 s29, s26;
	s26 =	sor.u32 $0x280, s22;
	v16 =	vld.idx.msk [tilespmem:v18+s28+$0x0], $0xffff;
	v17 =	vand.u32 $0xFFFF0000, v17;
	v18 =	vadd.s32 $0x6197, v21  }
0xb5: {  	s23 =	sor.u32 $0x300, s18;
	s11 =	sor.u32 $0x380, s18;
	s1 =	simm.s32 $0x400;
	v15 =	vld.idx.msk [tilespmem:v15+s28+$0x0], $0xffff;
	v21 =	vshll.u32 v25, $0x10;
	[tilespmem:s26+$0xEFB8] =	vst v17;
	v17 =	vnsel vm14, $0xC335, v12;
	v18 =	vnsel vm15, $0xC335, v18  }
0xb6: {  	v29 =	vand.u32 $0xFFFF0000, v25;
	s29 =	sand.u32 $0x3C00, s1;
	s16 =	sor.u32 $0x300, s22;
	s19 =	sor.u32 $0x380, s22;
	[tilespmem:s23+$0xEFB8] =	vst v21;
	v27 =	vadd.s32 $0x1, v17;
	v25 =	vadd.s32 $0x1, v18;
	v28 =	vld.idx.msk [tilespmem:v19+s28+$0x0], $0xffff  }
.LBB2_3:
0xb7: {  	[dreg:$0x1c] =	wrdreg s20;
	s20 =	sadd.s32 $0xEFB8, s29  }
0xb8: {  	v30 =	vld [tilespmem:s15+$0x0];
	[tilespmem:s11+$0xEFB8] =	vst v29;
	v19 =	vshll.u32 v20, $0x10;
	s25 =	sadd.s32 s13, s20  }
0xb9: {  	s6 =	sadd.s32 $0x40, s6;
	v20 =	vand.u32 $0xFFFF0000, v20;
	v31 =	vld.idx.msk [tilespmem:v8+s28+$0x0], $0xffff;
	[tilespmem:s25+$0x0] =	vst v19  }
0xba: {  	[dreg:$0x1e] =	wrdreg s7;
	v26 =	vadd.s32 $0x2, v17;
	s7 =	simm.s32 $0x0;
	s22 =	sor.u32 s5, s20;
	v32 =	vld [tilespmem:s6+$0x0];
	[tilespmem:s25+$0x80] =	vst v20  }
0xbb: {  	v21 =	vadd.s32 $0x3, v17;
	v23 =	vadd.s32 $0x2, v18;
	v12 =	vadd.s32 $0x3, v18;
	v33 =	vld.idx.msk [tilespmem:v17+s7+$0x0], $0xffff;
	[tilespmem:s22+$0x0] =	vst v13  }
0xbc: {  	v29 =	vshll.u32 v24, $0x10;
	v24 =	vand.u32 $0xFFFF0000, v24;
	v34 =	vadd.s32 $0x5, v17;
	[tilespmem:s22+$0x80] =	vst v14;
	v13 =	vld.idx.msk [tilespmem:v22+s7+$0x0], $0xffff  }
0xbd: {  	v35 =	vadd.s32 $0x4, v18;
	v8 =	vadd.s32 $0x4, v17;
	v17 =	vshll.u32 v16, $0x10;
	v11 =	vld.idx.msk [tilespmem:v11+s7+$0x0], $0xffff;
	[tilespmem:s3+$0xEFB8] =	vst v29  }
0xbe: {  	v20 =	vand.u32 $0xFFFF0000, v15;
	v22 =	vshll.u32 v15, $0x10;
	v15 =	vshll.u32 v28, $0x10;
	[tilespmem:s10+$0xEFB8] =	vst v24  }
0xbf: {  	v19 =	vadd.s32 $0x5, v18;
	v14 =	vld.idx.msk [tilespmem:v18+s7+$0x0], $0xffff;
	v18 =	vand.u32 $0xFFFF0000, v16;
	v28 =	vand.u32 $0xFFFF0000, v28;
	[tilespmem:s16+$0xEFB8] =	vst v15  }
0xc0: {  	s23 =	sadd.s32 s12, s20;
	v15 =	vsub.s32 v0, v32;
	[tilespmem:s19+$0xEFB8] =	vst v28;
	v28 =	vadd.s32 $0x2, v9;
	v54 =	vshll.u32 v33, $0x10  }
0xc1: {  	v16 =	vsub.s32 v1, v30;
	v33 =	vand.u32 $0xFFFF0000, v33;
	vm0 =	vgt.s32 v15, $0xFFFFFFE3;
	[tilespmem:s23+$0x0] =	vst v54  }
0xc2: {  	v10 =	vld.idx.msk [tilespmem:v10+s7+$0x0], $0xffff;
	vm1 =	vgt.s32 v16, $0xFFFFFFC4;
	[tilespmem:s23+$0x80] =	vst v33;
	v15 =	vnsel vm0, $0xFFFFFFE3, v15;
	v24 =	vshll.u32 v13, $0x10  }
0xc3: {  	v29 =	vld.idx.msk [tilespmem:v7+s7+$0x0], $0xffff;
	v16 =	vnsel vm1, $0xFFFFFFC4, v16;
	v13 =	vand.u32 $0xFFFF0000, v13;
	vm0 =	vlt.s32 v15, $0x1D;
	[tilespmem:s25+$0x100] =	vst v24  }
0xc4: {  	s28 =	sadd.s32 s14, s20;
	v55 =	vshll.u32 v14, $0x10;
	v14 =	vand.u32 $0xFFFF0000, v14;
	v27 =	vld.idx.msk [tilespmem:v27+s7+$0x0], $0xffff;
	[tilespmem:s25+$0x180] =	vst v13;
	v15 =	vnsel vm0, $0x1D, v15  }
0xc5: {  	s18 =	sadd.s32 $0x40, s31;
	p2 =	por !p2, !p2;
	s3 =	simm.s32 $0x1;
	vm4 =	vlt.s32 v16, $0x3C;
	[tilespmem:s28+$0x0] =	vst v55;
	v13 =	vmul.u32 $0x79, v15;
	v15 =	vadd.s32 $0x2, v4;
	v28 =	vld.idx.msk [tilespmem:v28+s7+$0x0], $0xffff  }
0xc6: {  	s3 =	simm.s32 @!p2 $0x0;
	v30 =	vshll.u32 v31, $0x10;
	[tilespmem:s28+$0x80] =	vst v14;
	v24 =	vld [tilespmem:s18+$0x0];
	v16 =	vnsel vm4, $0x3C, v16  }
0xc7: {  	s3 =	sshll.u32 s3, $0x6;
	v56 =	vshll.u32 v11, $0x10;
	[tilespmem:s9+$0x0] =	vst v30;
	v13 =	vadd.s32 v16, v13  }
0xc8: {  	s10 =	sadd.s32 s3, s1;
	v11 =	vand.u32 $0xFFFF0000, v11;
	[tilespmem:s22+$0x100] =	vst v56;
	v13 =	vmul.u32 $0x7, v13  }
0xc9: {  	v31 =	vand.u32 $0xFFFF0000, v31;
	s31 =	sadd.s32 $0x30, s10;
	v14 =	vld.idx.msk [tilespmem:v25+s7+$0x0], $0xffff;
	[tilespmem:s22+$0x180] =	vst v11;
	v25 =	vand.u32 $0xFFFF0000, v10;
	v16 =	vshll.u32 v10, $0x10  }
0xca: {  	s2 =	sor.u32 $0x200, s31;
	[tilespmem:s4+$0x0] =	vst v31;
	v10 =	vadd.s32 $0x3, v9;
	v11 =	vadd.s32 $0x6197, v13;
	v13 =	vld.idx.msk [tilespmem:v15+s7+$0x0], $0xffff;
	v15 =	vshll.u32 v28, $0x10  }
0xcb: {  	s26 =	sadd.s32 $0x20, s10;
	vm5 =	veq.s32 v3, v24;
	v24 =	vshll.u32 v27, $0x10;
	[tilespmem:s2+$0xEFB8] =	vst v15  }
0xcc: {  	[dreg:$0x1b] =	wrdreg s21;
	s24 =	sadd.s32 $0x40, s24;
	s0 =	sor.u32 $0x200, s26;
	v27 =	vand.u32 $0xFFFF0000, v27;
	v11 =	vnsel vm5, $0xC335, v11;
	v15 =	vand.u32 $0xFFFF0000, v28;
	v28 =	vld.idx.msk [tilespmem:v6+s7+$0x0], $0xffff;
	[tilespmem:s23+$0x100] =	vst v24  }
0xcd: {  	s11 =	sor.u32 $0x280, s31;
	[smem:$0x7F5] =	sst s0;
	s22 =	sand.u32 $0x40, s24;
	[tilespmem:s23+$0x180] =	vst v27  }
0xce: {  	s4 =	sor.u32 $0x280, s26;
	s0 =	sand.u32 $0x780, s24;
	s25 =	sor.u32 $0x30, s22;
	[tilespmem:s11+$0xEFB8] =	vst v15;
	v15 =	vshll.u32 v14, $0x10;
	v26 =	vld.idx.msk [tilespmem:v26+s7+$0x0], $0xffff  }
0xcf: {  	[smem:$0x7F6] =	sst s4;
	s4 =	sor.u32 s0, s25;
	v14 =	vand.u32 $0xFFFF0000, v14;
	v24 =	vld.idx.msk [tilespmem:v10+s7+$0x0], $0xffff;
	[tilespmem:s28+$0x100] =	vst v15  }
0xd0: {  	s21 =	smov.u32 s30;
	s20 =	smov.u32 s17;
	s17 =	sor.u32 $0x200, s10;
	[tilespmem:s28+$0x180] =	vst v14;
	v14 =	vld [tilespmem:s4+$0xCFB8];
	v10 =	vshll.u32 v13, $0x10  }
0xd1: {  	s3 =	sadd.s32 $0x10, s10;
	s2 =	sor.u32 $0x280, s10;
	s23 =	sor.u32 $0x10, s22;
	v13 =	vand.u32 $0xFFFF0000, v13;
	v15 =	vld.idx.msk [tilespmem:v11+s7+$0x0], $0xffff;
	[tilespmem:s17+$0xEFB8] =	vst v10  }
0xd2: {  	s16 =	sor.u32 $0x300, s3;
	v57 =	vshll.u32 v29, $0x10;
	v58 =	vld [tilespmem:s4+$0xD7B8];
	s7 =	sor.u32 s0, s23;
	s17 =	rddreg [dreg:$0x19];
	[tilespmem:s2+$0xEFB8] =	vst v13  }
0xd3: {  	s30 =	sor.u32 $0x200, s3;
	s19 =	sor.u32 $0x380, s26;
	[dreg:$0x1f] =	wrdreg s16;
	v27 =	vadd.s32 $0x4, v9;
	v31 =	vld [tilespmem:s7+$0xCFB8];
	[tilespmem:s17+$0x0] =	vst v57;
	v36 =	vshll.u32 v26, $0x10  }
0xd4: {  	s16 =	sor.u32 $0x300, s26;
	s26 =	sor.u32 $0x20, s22;
	s2 =	sor.u32 $0x300, s31;
	v60 =	vld [tilespmem:s7+$0xD7B8];
	v13 =	vshll.u32 v24, $0x10;
	[tilespmem:s30+$0xEFB8] =	vst v36  }
0xd5: {  	s9 =	sor.u32 $0x280, s3;
	s0 =	sor.u32 s0, s26;
	v26 =	vand.u32 $0xFFFF0000, v26;
	[tilespmem:s2+$0xEFB8] =	vst v13  }
0xd6: {  	s17 =	sor.u32 $0x380, s31;
	s31 =	smov.u32 s18;
	s18 =	rddreg [dreg:$0x14];
	v32 =	vld [tilespmem:s0+$0xCFB8];
	v37 =	vsub.s32 v0, v14;
	v13 =	vand.u32 $0xFFFF0000, v24;
	[tilespmem:s9+$0xEFB8] =	vst v26  }
0xd7: {  	v29 =	vand.u32 $0xFFFF0000, v29;
	s28 =	simm.s32 $0x0;
	vm6 =	vgt.s32 v37, $0xFFFFFFE3;
	s2 =	rddreg [dreg:$0x10];
	[tilespmem:s17+$0xEFB8] =	vst v13;
	v26 =	vld [tilespmem:s7+$0xDFB8]  }
0xd8: {  	v30 =	vshll.u32 v28, $0x10;
	v33 =	vsub.s32 v1, v58;
	s9 =	rddreg [dreg:$0x17];
	v61 =	vnsel vm6, $0xFFFFFFE3, v37;
	[tilespmem:s2+$0x0] =	vst v16;
	v27 =	vld.idx.msk [tilespmem:v27+s28+$0x0], $0xffff  }
0xd9: {  	s7 =	rddreg [dreg:$0x12];
	v13 =	vshll.u32 v15, $0x10;
	v14 =	vand.u32 $0xFFFF0000, v15;
	v15 =	vsub.s32 v0, v31;
	v31 =	vld [tilespmem:s0+$0xD7B8];
	[tilespmem:s18+$0x0] =	vst v29  }
0xda: {  	vm2 =	vgt.s32 v33, $0xFFFFFFC4;
	[tilespmem:s9+$0x0] =	vst v30;
	s2 =	sadd.s32 $0x13038, s29;
	s9 =	rddreg [dreg:$0x1e];
	vm0 =	vlt.s32 v61, $0x1D;
	v29 =	vld [tilespmem:s0+$0xDFB8];
	s0 =	sadd.s32 $0x12FB8, s29  }
0xdb: {  	v28 =	vand.u32 $0xFFFF0000, v28;
	v33 =	vnsel vm2, $0xFFFFFFC4, v33;
	[tilespmem:s7+$0x0] =	vst v25;
	s7 =	rddreg [dreg:$0xb];
	v16 =	vnsel vm0, $0x1D, v61;
	s17 =	sor.u32 s5, s0;
	s18 =	sadd.s32 s13, s0  }
0xdc: {  	vm2 =	vlt.s32 v33, $0x3C;
	v21 =	vld.idx.msk [tilespmem:v21+s28+$0x0], $0xffff;
	[tilespmem:s9+$0x0] =	vst v28;
	vm7 =	vgt.s32 v15, $0xFFFFFFE3;
	v16 =	vmul.u32 $0x79, v16;
	s9 =	sadd.s32 s12, s0;
	s0 =	sadd.s32 s14, s0;
	[dreg:$0x10] =	wrdreg s17  }
0xdd: {  	v59 =	vadd.s32 $0x5, v2;
	v2 =	vmovc v4;
	v25 =	vld [tilespmem:s4+$0xDFB8];
	v30 =	vnsel vm7, $0xFFFFFFE3, v15;
	v15 =	vnsel vm2, $0x3C, v33;
	s17 =	sor.u32 s5, s2;
	[dreg:$0x19] =	wrdreg s0  }
0xde: {  	v9 =	vadd.s32 $0x5, v9;
	v24 =	vadd.s32 $0x3, v2;
	v23 =	vld.idx.msk [tilespmem:v23+s28+$0x0], $0xffff;
	v15 =	vadd.s32 v15, v16;
	[dreg:$0x12] =	wrdreg s17  }
0xdf: {  	s4 =	sadd.s32 s12, s2;
	v32 =	vsub.s32 v0, v32;
	v62 =	vshll.u32 v27, $0x10;
	v63 =	vmul.u32 $0x7, v15;
	v15 =	vld.idx.msk [tilespmem:v5+s28+$0x0], $0xffff;
	[tilespmem:s7+$0x0] =	vst v22;
	s17 =	rddreg [dreg:$0x1b]  }
0xe0: {  	vm8 =	vgt.s32 v32, $0xFFFFFFE3;
	s7 =	rddreg [dreg:$0x1c];
	[tilespmem:s18+$0x0] =	vst v62;
	s18 =	sadd.s32 s13, s2;
	s2 =	sadd.s32 s14, s2  }
0xe1: {  	v10 =	vadd.s32 $0x4, v4;
	v28 =	vnsel vm8, $0xFFFFFFE3, v32;
	v16 =	vand.u32 $0xFFFF0000, v27;
	[dreg:$0x14] =	wrdreg s2  }
0xe2: {  	vm9 =	vlt.s32 v30, $0x1D;
	v27 =	vsub.s32 v1, v60;
	vm11 =	vlt.s32 v28, $0x1D;
	[tilespmem:s18+$0x0] =	vst v16;
	s18 =	smov.u32 s17;
	s2 =	rddreg [dreg:$0xc]  }
0xe3: {  	s8 =	sadd.s32 $0x4, s8;
	s15 =	sadd.s32 $0x40, s15;
	v5 =	vmovc v19;
	vm4 =	veq.s32 v3, v25;
	v19 =	vnsel vm9, $0x1D, v30;
	v33 =	vld.idx.msk [tilespmem:v9+s28+$0x0], $0xffff;
	[dreg:$0xb] =	wrdreg s18;
	v9 =	vadd.s32 $0x6197, v63  }
0xe4: {  	p3 =	slt.u32 s8, $0x7C;
	v24 =	vld.idx.msk [tilespmem:v24+s28+$0x0], $0xffff;
	v31 =	vsub.s32 v1, v31;
	vm10 =	vgt.s32 v27, $0xFFFFFFC4;
	s17 =	smov.u32 s7;
	s18 =	rddreg [dreg:$0x9];
	v9 =	vnsel vm4, $0xC335, v9  }
0xe5: {  	s30 =	smov.u32 s20;
	s0 =	sadd.s32 $0x130B8, s29;
	v19 =	vmul.u32 $0x79, v19;
	vm3 =	vgt.s32 v31, $0xFFFFFFC4;
	v16 =	vld.idx.msk [tilespmem:v59+s28+$0x0], $0xffff;
	[dreg:$0xc] =	wrdreg s17;
	[tilespmem:s18+$0x0] =	vst v17;
	v17 =	vnsel vm10, $0xFFFFFFC4, v27  }
0xe6: {  	s20 =	sadd.s32 s13, s0;
	[tilespmem:s2+$0x0] =	vst v20;
	v20 =	vnsel vm11, $0x1D, v28;
	s2 =	rddreg [dreg:$0x8];
	v22 =	vnsel vm3, $0xFFFFFFC4, v31;
	s17 =	sor.u32 s5, s0;
	vm12 =	vlt.s32 v17, $0x3C  }
0xe7: {  	s7 =	smov.u32 s2;
	vm13 =	vlt.s32 v22, $0x3C;
	[dreg:$0x8] =	wrdreg s17;
	s18 =	sadd.s32 $0x13138, s29;
	[tilespmem:s21+$0x0] =	vst v18;
	v18 =	vmul.u32 $0x79, v20;
	v17 =	vnsel vm12, $0x3C, v17  }
0xe8: {  	v4 =	vmovc v11;
	[dreg:$0x9] =	wrdreg s7;
	v20 =	vnsel vm13, $0x3C, v22;
	s17 =	sor.u32 s5, s18;
	s13 =	sadd.s32 s13, s18;
	v17 =	vadd.s32 v17, v19;
	v19 =	vshll.u32 v33, $0x10  }
0xe9: {  	v11 =	vadd.s32 $0x1, v4;
	s7 =	sadd.s32 s12, s18;
	v18 =	vadd.s32 v20, v18;
	v20 =	vld.idx.msk [tilespmem:v9+s28+$0x0], $0xffff;
	[tilespmem:s20+$0x0] =	vst v19;
	v19 =	vand.u32 $0xFFFF0000, v33;
	s20 =	sadd.s32 s14, s18;
	s18 =	sld [smem:$0x7F5]  }
.Ltmp0:
0xea: {  	vm14 =	veq.s32 v3, v26;
	v17 =	vmul.u32 $0x7, v17;
	v18 =	vmul.u32 $0x7, v18;
	[tilespmem:s13+$0x0] =	vst v19;
	s13 =	smov.u32 s25;
	s25 =	sld [smem:$0x7F6];
	(pc) =	sbr.rel @p3 .LBB2_3-.Ltmp0, $4  }
0xeb: {  	s1 =	sadd.s32 $0x200, s1;
	s11 =	sor.u32 $0x380, s3;
	vm15 =	veq.s32 v3, v29;
	v29 =	vand.u32 $0xFFFF0000, v21;
	s21 =	sadd.s32 s12, s0;
	v22 =	vshll.u32 v23, $0x10  }
0xec: {  	s3 =	sor.u32 $0x300, s10;
	s10 =	sor.u32 $0x380, s10;
	v23 =	vand.u32 $0xFFFF0000, v23;
	[dreg:$0x17] =	wrdreg s21;
	v17 =	vadd.s32 $0x6197, v17;
	v18 =	vadd.s32 $0x6197, v18;
	[tilespmem:s18+$0xEFB8] =	vst v22  }
0xed: {  	s21 =	sadd.s32 s14, s0;
	s14 =	smov.u32 s26;
	s26 =	rddreg [dreg:$0x1f];
	v19 =	vshll.u32 v21, $0x10;
	v17 =	vnsel vm14, $0xC335, v17;
	v18 =	vnsel vm15, $0xC335, v18;
	[tilespmem:s25+$0xEFB8] =	vst v23  }
0xee: {  	v7 =	vmovc v35;
	v6 =	vmovc v34;
	s29 =	sand.u32 $0x3C00, s1;
	s5 =	smov.u32 s22;
	s12 =	smov.u32 s23;
	[tilespmem:s26+$0xEFB8] =	vst v19;
	v27 =	vadd.s32 $0x1, v17;
	v25 =	vadd.s32 $0x1, v18;
	v22 =	vadd.s32 $0x1, v9;
	v28 =	vld.idx.msk [tilespmem:v12+s28+$0x0], $0xffff  }
0xef: {  	_ = 	snop  }
0xf0: {  	s0 =	sadd.s32 $0xEFB8, s29  }
0xf1: {  	[tilespmem:s11+$0xEFB8] =	vst v29;
	v0 =	vshll.u32 v20, $0x10;
	s2 =	sadd.s32 s13, s0  }
0xf2: {  	[tilespmem:s2+$0x0] =	vst v0;
	v0 =	vand.u32 $0xFFFF0000, v20  }
0xf3: {  	[tilespmem:s2+$0x80] =	vst v0;
	v0 =	vshll.u32 v28, $0x10  }
0xf4: {  	v1 =	vand.u32 $0xFFFF0000, v28;
	[tilespmem:s16+$0xEFB8] =	vst v0;
	v0 =	vld.idx.msk [tilespmem:v22+s28+$0x0], $0xffff  }
0xf5: {  	[tilespmem:s19+$0xEFB8] =	vst v1;
	v1 =	vshll.u32 v24, $0x10  }
0xf6: {  	v3 =	vld.idx.msk [tilespmem:v17+s28+$0x0], $0xffff;
	s19 =	sor.u32 s5, s0;
	[tilespmem:s3+$0xEFB8] =	vst v1  }
0xf7: {  	v1 =	vand.u32 $0xFFFF0000, v24;
	[tilespmem:s19+$0x0] =	vst v13  }
0xf8: {  	[tilespmem:s10+$0xEFB8] =	vst v1;
	v1 =	vld.idx.msk [tilespmem:v18+s28+$0x0], $0xffff  }
0xf9: {  	v12 =	vadd.s32 $0x2, v9;
	[tilespmem:s19+$0x80] =	vst v14;
	v13 =	vshll.u32 v0, $0x10  }
0xfa: {  	v11 =	vld.idx.msk [tilespmem:v11+s28+$0x0], $0xffff;
	v0 =	vand.u32 $0xFFFF0000, v0;
	[tilespmem:s2+$0x100] =	vst v13  }
0xfb: {  	s22 =	sadd.s32 s12, s0;
	[tilespmem:s2+$0x180] =	vst v0;
	v0 =	vshll.u32 v3, $0x10  }
0xfc: {  	v8 =	vld.idx.msk [tilespmem:v8+s28+$0x0], $0xffff;
	v3 =	vand.u32 $0xFFFF0000, v3;
	[tilespmem:s22+$0x0] =	vst v0  }
0xfd: {  	s0 =	sadd.s32 s14, s0;
	[tilespmem:s22+$0x80] =	vst v3;
	v0 =	vshll.u32 v1, $0x10  }
0xfe: {  	p2 =	por !p2, !p2;
	s6 =	simm.s32 $0x1;
	v3 =	vld.idx.msk [tilespmem:v12+s28+$0x0], $0xffff;
	v1 =	vand.u32 $0xFFFF0000, v1;
	[tilespmem:s0+$0x0] =	vst v0  }
0xff: {  	s6 =	simm.s32 @!p2 $0x0;
	v12 =	vadd.s32 $0x2, v4;
	v0 =	vshll.u32 v11, $0x10;
	[tilespmem:s0+$0x80] =	vst v1  }
0x100: {  	s6 =	sshll.u32 s6, $0x6;
	v1 =	vand.u32 $0xFFFF0000, v11;
	v11 =	vld.idx.msk [tilespmem:v27+s28+$0x0], $0xffff;
	[tilespmem:s19+$0x100] =	vst v0  }
0x101: {  	s1 =	sadd.s32 s6, s1;
	v0 =	vshll.u32 v8, $0x10;
	[tilespmem:s19+$0x180] =	vst v1  }
0x102: {  	s23 =	sadd.s32 $0x30, s1;
	v1 =	vand.u32 $0xFFFF0000, v8;
	v8 =	vld.idx.msk [tilespmem:v25+s28+$0x0], $0xffff;
	[tilespmem:s9+$0x0] =	vst v0  }
0x103: {  	s24 =	sor.u32 $0x200, s23;
	v13 =	vadd.s32 $0x3, v9;
	v0 =	vshll.u32 v3, $0x10;
	[tilespmem:s4+$0x0] =	vst v1  }
0x104: {  	s25 =	sor.u32 $0x280, s23;
	v12 =	vld.idx.msk [tilespmem:v12+s28+$0x0], $0xffff;
	[tilespmem:s24+$0xEFB8] =	vst v0;
	v0 =	vand.u32 $0xFFFF0000, v3  }
0x105: {  	v1 =	vadd.s32 $0x2, v17;
	v3 =	vshll.u32 v11, $0x10;
	[tilespmem:s25+$0xEFB8] =	vst v0  }
0x106: {  	v0 =	vld.idx.msk [tilespmem:v7+s28+$0x0], $0xffff;
	v7 =	vand.u32 $0xFFFF0000, v11;
	[tilespmem:s22+$0x100] =	vst v3  }
0x107: {  	v3 =	vshll.u32 v8, $0x10;
	[tilespmem:s22+$0x180] =	vst v7  }
0x108: {  	v11 =	vld.idx.msk [tilespmem:v13+s28+$0x0], $0xffff;
	v7 =	vand.u32 $0xFFFF0000, v8;
	[tilespmem:s0+$0x100] =	vst v3  }
0x109: {  	s26 =	sor.u32 $0x200, s1;
	[tilespmem:s0+$0x180] =	vst v7;
	v3 =	vshll.u32 v12, $0x10  }
0x10a: {  	s4 =	sor.u32 $0x280, s1;
	v1 =	vld.idx.msk [tilespmem:v1+s28+$0x0], $0xffff;
	v7 =	vand.u32 $0xFFFF0000, v12;
	[tilespmem:s26+$0xEFB8] =	vst v3  }
0x10b: {  	[tilespmem:s4+$0xEFB8] =	vst v7  }
0x10c: {  	v3 =	vshll.u32 v0, $0x10;
	s2 =	rddreg [dreg:$0x19]  }
0x10d: {  	s6 =	sor.u32 $0x300, s23;
	v7 =	vld.idx.msk [tilespmem:v10+s28+$0x0], $0xffff;
	v10 =	vshll.u32 v11, $0x10;
	[tilespmem:s2+$0x0] =	vst v3  }
0x10e: {  	s8 =	sadd.s32 $0x10, s1;
	s9 =	sor.u32 $0x380, s23;
	[tilespmem:s6+$0xEFB8] =	vst v10;
	v10 =	vand.u32 $0xFFFF0000, v11  }
0x10f: {  	s10 =	sor.u32 $0x200, s8;
	v11 =	vshll.u32 v1, $0x10;
	[tilespmem:s9+$0xEFB8] =	vst v10  }
0x110: {  	s11 =	sor.u32 $0x280, s8;
	v8 =	vadd.s32 $0x4, v9;
	v1 =	vand.u32 $0xFFFF0000, v1;
	[tilespmem:s10+$0xEFB8] =	vst v11  }
0x111: {  	[tilespmem:s11+$0xEFB8] =	vst v1  }
0x112: {  	v0 =	vand.u32 $0xFFFF0000, v0;
	v3 =	vadd.s32 $0x2, v18;
	s0 =	rddreg [dreg:$0x14]  }
0x113: {  	v6 =	vld.idx.msk [tilespmem:v6+s28+$0x0], $0xffff;
	[tilespmem:s0+$0x0] =	vst v0  }
0x114: {  	v10 =	vshll.u32 v7, $0x10;
	s0 =	rddreg [dreg:$0x10]  }
0x115: {  	v8 =	vld.idx.msk [tilespmem:v8+s28+$0x0], $0xffff;
	[tilespmem:s0+$0x0] =	vst v10  }
0x116: {  	v1 =	vadd.s32 $0x3, v17;
	v0 =	vand.u32 $0xFFFF0000, v7;
	s0 =	rddreg [dreg:$0x12]  }
0x117: {  	v3 =	vld.idx.msk [tilespmem:v3+s28+$0x0], $0xffff;
	[tilespmem:s0+$0x0] =	vst v0  }
0x118: {  	v7 =	vshll.u32 v6, $0x10;
	s0 =	rddreg [dreg:$0x17]  }
0x119: {  	s3 =	sadd.s32 $0x12FB8, s29;
	v0 =	vand.u32 $0xFFFF0000, v6;
	[tilespmem:s0+$0x0] =	vst v7  }
0x11a: {  	s15 =	sadd.s32 s13, s3;
	s0 =	sadd.s32 $0x13038, s29;
	v7 =	vshll.u32 v8, $0x10;
	[tilespmem:s7+$0x0] =	vst v0  }
0x11b: {  	s16 =	sadd.s32 $0x20, s1;
	v0 =	vld.idx.msk [tilespmem:v1+s28+$0x0], $0xffff;
	[tilespmem:s15+$0x0] =	vst v7;
	v1 =	vand.u32 $0xFFFF0000, v8;
	s18 =	sadd.s32 s13, s0  }
0x11c: {  	s19 =	sor.u32 $0x200, s16;
	[tilespmem:s18+$0x0] =	vst v1;
	v1 =	vshll.u32 v3, $0x10  }
0x11d: {  	s22 =	sor.u32 $0x280, s16;
	v6 =	vadd.s32 $0x3, v18;
	v3 =	vand.u32 $0xFFFF0000, v3;
	[tilespmem:s19+$0xEFB8] =	vst v1  }
0x11e: {  	[tilespmem:s22+$0xEFB8] =	vst v3  }
0x11f: {  	v7 =	vadd.s32 $0x3, v4;
	v8 =	vshll.u32 v15, $0x10;
	s4 =	rddreg [dreg:$0xb]  }
0x120: {  	[tilespmem:s4+$0x0] =	vst v8  }
0x121: {  	v1 =	vadd.s32 $0x4, v17;
	v3 =	vand.u32 $0xFFFF0000, v15;
	s7 =	rddreg [dreg:$0xc]  }
0x122: {  	s23 =	sor.u32 $0x300, s8;
	v6 =	vld.idx.msk [tilespmem:v6+s28+$0x0], $0xffff;
	[tilespmem:s7+$0x0] =	vst v3;
	v3 =	vshll.u32 v0, $0x10  }
0x123: {  	s2 =	sor.u32 $0x380, s8;
	v8 =	vadd.s32 $0x5, v9;
	v0 =	vand.u32 $0xFFFF0000, v0;
	[tilespmem:s23+$0xEFB8] =	vst v3  }
0x124: {  	v7 =	vld.idx.msk [tilespmem:v7+s28+$0x0], $0xffff;
	[tilespmem:s2+$0xEFB8] =	vst v0  }
0x125: {  	v9 =	vshll.u32 v16, $0x10;
	v3 =	vadd.s32 $0x4, v18;
	s2 =	rddreg [dreg:$0x9]  }
0x126: {  	v0 =	vand.u32 $0xFFFF0000, v16;
	v1 =	vld.idx.msk [tilespmem:v1+s28+$0x0], $0xffff;
	[tilespmem:s2+$0x0] =	vst v9  }
0x127: {  	s24 =	sor.u32 $0x300, s16;
	v9 =	vadd.s32 $0x4, v4;
	[tilespmem:s30+$0x0] =	vst v0;
	v0 =	vshll.u32 v6, $0x10  }
0x128: {  	s25 =	sor.u32 $0x380, s16;
	v8 =	vld.idx.msk [tilespmem:v8+s28+$0x0], $0xffff;
	v6 =	vand.u32 $0xFFFF0000, v6;
	[tilespmem:s24+$0xEFB8] =	vst v0  }
0x129: {  	s26 =	sor.u32 $0x300, s1;
	v10 =	vshll.u32 v7, $0x10;
	v0 =	vadd.s32 $0x5, v17;
	[tilespmem:s25+$0xEFB8] =	vst v6  }
0x12a: {  	s1 =	sor.u32 $0x380, s1;
	[tilespmem:s26+$0xEFB8] =	vst v10;
	v6 =	vand.u32 $0xFFFF0000, v7;
	v3 =	vld.idx.msk [tilespmem:v3+s28+$0x0], $0xffff  }
0x12b: {  	s4 =	sadd.s32 s12, s3;
	v7 =	vshll.u32 v1, $0x10;
	[tilespmem:s1+$0xEFB8] =	vst v6  }
0x12c: {  	s6 =	sadd.s32 s12, s0;
	s7 =	sadd.s32 $0x130B8, s29;
	v1 =	vand.u32 $0xFFFF0000, v1;
	v6 =	vld.idx.msk [tilespmem:v9+s28+$0x0], $0xffff;
	[tilespmem:s4+$0x0] =	vst v7  }
0x12d: {  	s8 =	sadd.s32 $0x13138, s29;
	s9 =	sadd.s32 s13, s7;
	v7 =	vshll.u32 v8, $0x10;
	[tilespmem:s6+$0x0] =	vst v1  }
0x12e: {  	v2 =	vadd.s32 $0x5, v2;
	s10 =	sadd.s32 s13, s8;
	[tilespmem:s9+$0x0] =	vst v7;
	v1 =	vand.u32 $0xFFFF0000, v8;
	v0 =	vld.idx.msk [tilespmem:v0+s28+$0x0], $0xffff  }
0x12f: {  	s11 =	sadd.s32 s14, s3;
	v5 =	vld.idx.msk [tilespmem:v5+s28+$0x0], $0xffff;
	[tilespmem:s10+$0x0] =	vst v1;
	v1 =	vshll.u32 v3, $0x10  }
0x130: {  	s13 =	sadd.s32 s14, s0;
	v7 =	vadd.s32 $0x5, v18;
	v3 =	vand.u32 $0xFFFF0000, v3;
	[tilespmem:s11+$0x0] =	vst v1  }
0x131: {  	s3 =	sor.u32 s5, s3;
	v1 =	vshll.u32 v6, $0x10;
	[tilespmem:s13+$0x0] =	vst v3  }
0x132: {  	s0 =	sor.u32 s5, s0;
	v4 =	vadd.s32 $0x5, v4;
	v3 =	vand.u32 $0xFFFF0000, v6;
	[tilespmem:s3+$0x0] =	vst v1  }
0x133: {  	v2 =	vld.idx.msk [tilespmem:v2+s28+$0x0], $0xffff;
	s15 =	sadd.s32 s12, s7;
	v1 =	vshll.u32 v0, $0x10;
	[tilespmem:s0+$0x0] =	vst v3  }
0x134: {  	v3 =	vshll.u32 v5, $0x10;
	[tilespmem:s15+$0x0] =	vst v1  }
0x135: {  	s16 =	sadd.s32 s12, s8;
	v0 =	vand.u32 $0xFFFF0000, v0;
	v1 =	vld.idx.msk [tilespmem:v7+s28+$0x0], $0xffff;
	[tilespmem:s21+$0x0] =	vst v3  }
0x136: {  	[tilespmem:s16+$0x0] =	vst v0;
	v0 =	vand.u32 $0xFFFF0000, v5  }
0x137: {  	v3 =	vld.idx.msk [tilespmem:v4+s28+$0x0], $0xffff;
	[tilespmem:s20+$0x0] =	vst v0  }
0x138: {  	v4 =	vshll.u32 v2, $0x10;
	s0 =	rddreg [dreg:$0x8]  }
0x139: {  	v0 =	vand.u32 $0xFFFF0000, v2;
	[tilespmem:s0+$0x0] =	vst v4  }
0x13a: {  	s18 =	sadd.s32 s14, s7;
	[tilespmem:s17+$0x0] =	vst v0;
	v0 =	vshll.u32 v1, $0x10  }
0x13b: {  	s19 =	sadd.s32 s14, s8;
	v1 =	vand.u32 $0xFFFF0000, v1;
	[tilespmem:s18+$0x0] =	vst v0  }
0x13c: {  	s20 =	sor.u32 s5, s7;
	v0 =	vshll.u32 v3, $0x10;
	[tilespmem:s19+$0x0] =	vst v1  }
0x13d: {  	s2 =	sor.u32 s5, s8;
	v1 =	vand.u32 $0xFFFF0000, v3;
	s6 =	sld [smem:$0x7F8];
	[tilespmem:s20+$0x0] =	vst v0  }
0x13e: {  	[tilespmem:s2+$0x0] =	vst v1  }
0x13f: {  	s23 =	sld [smem:$0x7FB]  }
0x140: {  	s21 =	sshll.u32 s6, $0x8  }
0x141: {  	s24 =	simm.s32 $0xEFB8;
	s22 =	sand.u32 $0x7D800, s21  }
0x142: {  	s3 =	simm.s32 $0x400000;
	s2 =	simm.s32 $0x80;
	s0 =	sadd.s32 s22, s23  }
0x143: {  	[hbm4b:s0+s2] =	stream.strided.scatter [tilespmem:s24], [sflag:$0x2], $0x400, s3, s2, $0x38;
	[tilespmem:$0x1EFB8] =	vst v63  }
0x144: {  	s26 =	simm.s32 $0xF3B8;
	s25 =	sadd.s32 $0x80, s0  }
0x145: {  	[hbm4b:s25+s2] =	stream.strided.scatter [tilespmem:s26], [sflag:$0x2], $0x400, s3, s2, $0x38;
	[tilespmem:$0x1EFB8] =	vst v63  }
0x146: {  	s5 =	simm.s32 $0xF7B8;
	s4 =	sadd.s32 $0x100, s0  }
0x147: {  	[hbm4b:s4+s2] =	stream.strided.scatter [tilespmem:s5], [sflag:$0x2], $0x400, s3, s2, $0x38;
	[tilespmem:$0x1EFB8] =	vst v63  }
0x148: {  	s8 =	simm.s32 $0xFBB8;
	s7 =	sadd.s32 $0x180, s0  }
0x149: {  	[hbm4b:s7+s2] =	stream.strided.scatter [tilespmem:s8], [sflag:$0x2], $0x400, s3, s2, $0x38;
	[tilespmem:$0x1EFB8] =	vst v63  }
0x14a: {  	s10 =	simm.s32 $0xFFB8;
	s9 =	sadd.s32 $0x200, s0  }
0x14b: {  	[hbm4b:s9+s2] =	stream.strided.scatter [tilespmem:s10], [sflag:$0x2], $0x400, s3, s2, $0x38;
	[tilespmem:$0x1EFB8] =	vst v63  }
0x14c: {  	s12 =	simm.s32 $0x103B8;
	s11 =	sadd.s32 $0x280, s0  }
0x14d: {  	[hbm4b:s11+s2] =	stream.strided.scatter [tilespmem:s12], [sflag:$0x2], $0x400, s3, s2, $0x38;
	[tilespmem:$0x1EFB8] =	vst v63  }
0x14e: {  	s14 =	simm.s32 $0x107B8;
	s13 =	sadd.s32 $0x300, s0  }
0x14f: {  	[hbm4b:s13+s2] =	stream.strided.scatter [tilespmem:s14], [sflag:$0x2], $0x400, s3, s2, $0x38;
	[tilespmem:$0x1EFB8] =	vst v63  }
0x150: {  	s16 =	simm.s32 $0x10BB8;
	s15 =	sadd.s32 $0x380, s0  }
0x151: {  	[hbm4b:s15+s2] =	stream.strided.scatter [tilespmem:s16], [sflag:$0x2], $0x400, s3, s2, $0x38;
	[tilespmem:$0x1EFB8] =	vst v63  }
0x152: {  	s18 =	simm.s32 $0x10FB8;
	s17 =	sadd.s32 $0x400, s0  }
0x153: {  	[hbm4b:s17+s2] =	stream.strided.scatter [tilespmem:s18], [sflag:$0x2], $0x400, s3, s2, $0x38;
	[tilespmem:$0x1EFB8] =	vst v63  }
0x154: {  	s20 =	simm.s32 $0x113B8;
	s19 =	sadd.s32 $0x480, s0  }
0x155: {  	[hbm4b:s19+s2] =	stream.strided.scatter [tilespmem:s20], [sflag:$0x2], $0x400, s3, s2, $0x38;
	[tilespmem:$0x1EFB8] =	vst v63  }
0x156: {  	s22 =	simm.s32 $0x117B8;
	s21 =	sadd.s32 $0x500, s0  }
0x157: {  	[hbm4b:s21+s2] =	stream.strided.scatter [tilespmem:s22], [sflag:$0x2], $0x400, s3, s2, $0x38;
	[tilespmem:$0x1EFB8] =	vst v63  }
0x158: {  	s23 =	sadd.s32 $0x580, s0;
	s24 =	simm.s32 $0x11BB8  }
0x159: {  	[hbm4b:s23+s2] =	stream.strided.scatter [tilespmem:s24], [sflag:$0x2], $0x400, s3, s2, $0x38;
	[tilespmem:$0x1EFB8] =	vst v63  }
0x15a: {  	s25 =	sadd.s32 $0x600, s0;
	s26 =	simm.s32 $0x11FB8  }
0x15b: {  	[hbm4b:s25+s2] =	stream.strided.scatter [tilespmem:s26], [sflag:$0x2], $0x400, s3, s2, $0x38;
	[tilespmem:$0x1EFB8] =	vst v63  }
0x15c: {  	s5 =	sadd.s32 $0x680, s0;
	s7 =	simm.s32 $0x123B8  }
0x15d: {  	[hbm4b:s5+s2] =	stream.strided.scatter [tilespmem:s7], [sflag:$0x2], $0x400, s3, s2, $0x38;
	[tilespmem:$0x1EFB8] =	vst v63  }
0x15e: {  	s8 =	sadd.s32 $0x700, s0;
	s9 =	simm.s32 $0x127B8  }
0x15f: {  	[hbm4b:s8+s2] =	stream.strided.scatter [tilespmem:s9], [sflag:$0x2], $0x400, s3, s2, $0x38;
	[tilespmem:$0x1EFB8] =	vst v63  }
0x160: {  	s10 =	sadd.s32 $0x780, s0;
	s11 =	simm.s32 $0x12BB8  }
0x161: {  	[hbm4b:s10+s2] =	stream.strided.scatter [tilespmem:s11], [sflag:$0x2], $0x400, s3, s2, $0x38;
	[tilespmem:$0x1EFB8] =	vst v63  }
0x162: {  	s0 =	sadd.s32 $0x400000, s0;
	s12 =	simm.s32 $0x12FB8  }
0x163: {  	[hbm4b:s0+s2] =	stream.strided.scatter [tilespmem:s12], [sflag:$0x2], $0x200, s3, s2, $0x38;
	[tilespmem:$0x1EFB8] =	vst v63  }
0x164: {  	s13 =	sadd.s32 $0x80, s0;
	s14 =	simm.s32 $0x133B8  }
0x165: {  	[hbm4b:s13+s2] =	stream.strided.scatter [tilespmem:s14], [sflag:$0x2], $0x200, s3, s2, $0x38;
	[tilespmem:$0x1EFB8] =	vst v63  }
0x166: {  	s15 =	sadd.s32 $0x100, s0;
	s16 =	simm.s32 $0x137B8  }
0x167: {  	[hbm4b:s15+s2] =	stream.strided.scatter [tilespmem:s16], [sflag:$0x2], $0x200, s3, s2, $0x38;
	[tilespmem:$0x1EFB8] =	vst v63  }
0x168: {  	s17 =	sadd.s32 $0x180, s0;
	s18 =	simm.s32 $0x13BB8  }
0x169: {  	[hbm4b:s17+s2] =	stream.strided.scatter [tilespmem:s18], [sflag:$0x2], $0x200, s3, s2, $0x38;
	[tilespmem:$0x1EFB8] =	vst v63  }
0x16a: {  	s19 =	sadd.s32 $0x200, s0;
	s20 =	simm.s32 $0x13FB8  }
0x16b: {  	[hbm4b:s19+s2] =	stream.strided.scatter [tilespmem:s20], [sflag:$0x2], $0x200, s3, s2, $0x38;
	[tilespmem:$0x1EFB8] =	vst v63  }
0x16c: {  	s21 =	sadd.s32 $0x280, s0;
	s22 =	simm.s32 $0x143B8  }
0x16d: {  	[hbm4b:s21+s2] =	stream.strided.scatter [tilespmem:s22], [sflag:$0x2], $0x200, s3, s2, $0x38;
	[tilespmem:$0x1EFB8] =	vst v63  }
0x16e: {  	s23 =	sadd.s32 $0x300, s0;
	s24 =	simm.s32 $0x147B8  }
0x16f: {  	[hbm4b:s23+s2] =	stream.strided.scatter [tilespmem:s24], [sflag:$0x2], $0x200, s3, s2, $0x38;
	[tilespmem:$0x1EFB8] =	vst v63  }
0x170: {  	s25 =	sadd.s32 $0x380, s0;
	s26 =	simm.s32 $0x14BB8  }
0x171: {  	[hbm4b:s25+s2] =	stream.strided.scatter [tilespmem:s26], [sflag:$0x2], $0x200, s3, s2, $0x38;
	[tilespmem:$0x1EFB8] =	vst v63  }
0x172: {  	s4 =	sadd.s32 $0x400, s0;
	s5 =	simm.s32 $0x14FB8  }
0x173: {  	[hbm4b:s4+s2] =	stream.strided.scatter [tilespmem:s5], [sflag:$0x2], $0x200, s3, s2, $0x38;
	[tilespmem:$0x1EFB8] =	vst v63  }
0x174: {  	s7 =	sadd.s32 $0x480, s0;
	s8 =	simm.s32 $0x153B8  }
0x175: {  	[hbm4b:s7+s2] =	stream.strided.scatter [tilespmem:s8], [sflag:$0x2], $0x200, s3, s2, $0x38;
	[tilespmem:$0x1EFB8] =	vst v63  }
0x176: {  	s9 =	sadd.s32 $0x500, s0;
	s10 =	simm.s32 $0x157B8  }
0x177: {  	[hbm4b:s9+s2] =	stream.strided.scatter [tilespmem:s10], [sflag:$0x2], $0x200, s3, s2, $0x38;
	[tilespmem:$0x1EFB8] =	vst v63  }
0x178: {  	s11 =	sadd.s32 $0x580, s0;
	s12 =	simm.s32 $0x15BB8  }
0x179: {  	[hbm4b:s11+s2] =	stream.strided.scatter [tilespmem:s12], [sflag:$0x2], $0x200, s3, s2, $0x38;
	[tilespmem:$0x1EFB8] =	vst v63  }
0x17a: {  	s13 =	sadd.s32 $0x600, s0;
	s14 =	simm.s32 $0x15FB8  }
0x17b: {  	[hbm4b:s13+s2] =	stream.strided.scatter [tilespmem:s14], [sflag:$0x2], $0x200, s3, s2, $0x38;
	[tilespmem:$0x1EFB8] =	vst v63  }
0x17c: {  	s1 =	simm.s32 @!p1 $0x3;
	s15 =	sadd.s32 $0x680, s0;
	s16 =	simm.s32 $0x163B8  }
0x17d: {  	[hbm4b:s15+s2] =	stream.strided.scatter [tilespmem:s16], [sflag:$0x2], $0x200, s3, s2, $0x38;
	[tilespmem:$0x1EFB8] =	vst v63  }
0x17e: {  	s17 =	sadd.s32 $0x700, s0;
	s18 =	simm.s32 $0x167B8;
	s19 =	sor.u32 $0x20, s6  }
0x17f: {  	[hbm4b:s17+s2] =	stream.strided.scatter [tilespmem:s18], [sflag:$0x2], $0x200, s3, s2, $0x38;
	[tilespmem:$0x1EFB8] =	vst v63  }
0x180: {  	s0 =	sadd.s32 $0x780, s0;
	s20 =	simm.s32 $0x16BB8;
	[smem:$0x7F4] =	sst s19;
	v2 =	vmov s19  }
0x181: {  	[hbm4b:s0+s2] =	stream.strided.scatter [tilespmem:s20], [sflag:$0x2], $0x200, s3, s2, $0x38;
	[tilespmem:$0x1EFB8] =	vst v63  }
0x182: {  	_ =	swait.ge @!p1 [sflag:s1], $0x6000  }
0x183: {  	s21 =	simm.s32 $0x0;
	[sflag:s1] =	ssyncset.done @!p1 $0x0  }
0x184: {  	s22 =	simm.s32 $0xCFB8;
	s10 =	sand.u32 $0x40, s21;
	[sflag:s1] =	ssyncadd.s32 @!p1 $0xFFFFA000  }
0x185: {  	s23 =	simm.s32 $0xD7B8;
	s24 =	sand.u32 $0x780, s21;
	s14 =	sor.u32 $0x30, s10;
	v0 =	vld.idx.msk [tilespmem:v2+s22+$0x0], $0xffff  }
0x186: {  	s25 =	sor.u32 s24, s14;
	v1 =	vld.idx.msk [tilespmem:v2+s23+$0x0], $0xffff  }
0x187: {  	v3 =	vld [tilespmem:s25+$0xCFB8]  }
0x188: {  	v4 =	vld [tilespmem:s23+$0x0]  }
0x189: {  	v5 =	vld [tilespmem:s25+$0xD7B8]  }
0x18a: {  	v6 =	vld [tilespmem:s22+$0x0];
	_ =	sdelay $0x1  }
0x18b: {  	v3 =	vsub.s32 v0, v3  }
0x18c: {  	s2 =	simm.s32 $0xDFB8;
	vm0 =	vgt.s32 v3, $0xFFFFFFE3  }
0x18d: {  	s26 =	simm.s32 $0xE7B8;
	s11 =	sor.u32 $0x20, s10;
	v8 =	vld [tilespmem:s2+$0x0];
	v4 =	vsub.s32 v1, v4;
	v5 =	vsub.s32 v1, v5;
	v7 =	vnsel vm0, $0xFFFFFFE3, v3  }
0x18e: {  	s6 =	sor.u32 s24, s11;
	vm1 =	vgt.s32 v5, $0xFFFFFFC4;
	v3 =	vld.idx.msk [tilespmem:v2+s26+$0x0], $0xffff;
	v2 =	vsub.s32 v0, v6;
	vm0 =	vlt.s32 v7, $0x1D  }
0x18f: {  	v12 =	vld [tilespmem:s6+$0xD7B8];
	s26 =	sor.u32 $0x10, s10;
	v5 =	vnsel vm1, $0xFFFFFFC4, v5;
	vm2 =	vgt.s32 v2, $0xFFFFFFE3;
	v6 =	vnsel vm0, $0x1D, v7  }
0x190: {  	s5 =	sor.u32 s24, s26;
	vm4 =	vlt.s32 v5, $0x3C;
	v2 =	vnsel vm2, $0xFFFFFFE3, v2;
	v7 =	vld [tilespmem:s25+$0xDFB8];
	v6 =	vmul.u32 $0x79, v6  }
0x191: {  	vm5 =	vgt.s32 v4, $0xFFFFFFC4;
	v9 =	vld [tilespmem:s5+$0xCFB8];
	v5 =	vnsel vm4, $0x3C, v5;
	vm2 =	vlt.s32 v2, $0x1D  }
0x192: {  	v4 =	vnsel vm5, $0xFFFFFFC4, v4;
	v11 =	vld [tilespmem:s5+$0xD7B8];
	v2 =	vnsel vm2, $0x1D, v2;
	v5 =	vadd.s32 v5, v6  }
0x193: {  	vm6 =	vlt.s32 v4, $0x3C;
	v2 =	vmul.u32 $0x79, v2;
	v5 =	vmul.u32 $0x7, v5  }
0x194: {  	v10 =	vld [tilespmem:s6+$0xCFB8];
	v4 =	vnsel vm6, $0x3C, v4  }
0x195: {  	v2 =	vadd.s32 v4, v2;
	vm7 =	veq.s32 v3, v7;
	v4 =	vadd.s32 $0x6197, v5  }
0x196: {  	vm8 =	veq.s32 v3, v8;
	v8 =	vsub.s32 v1, v12;
	v6 =	vnsel vm7, $0xC335, v4  }
0x197: {  	vm4 =	vgt.s32 v8, $0xFFFFFFC4;
	v7 =	vsub.s32 v1, v11;
	v5 =	vsub.s32 v0, v9  }
0x198: {  	v8 =	vnsel vm4, $0xFFFFFFC4, v8;
	v2 =	vmul.u32 $0x7, v2;
	vm9 =	vgt.s32 v5, $0xFFFFFFE3  }
0x199: {  	vm11 =	vgt.s32 v7, $0xFFFFFFC4;
	v4 =	vsub.s32 v0, v10;
	v5 =	vnsel vm9, $0xFFFFFFE3, v5  }
0x19a: {  	vm13 =	vlt.s32 v8, $0x3C;
	v10 =	vld [tilespmem:s5+$0xDFB8];
	vm10 =	vgt.s32 v4, $0xFFFFFFE3;
	vm1 =	vlt.s32 v5, $0x1D  }
0x19b: {  	v7 =	vnsel vm11, $0xFFFFFFC4, v7;
	v4 =	vnsel vm10, $0xFFFFFFE3, v4;
	v5 =	vnsel vm1, $0x1D, v5;
	v11 =	vld.idx.msk [tilespmem:v6+s28+$0x0], $0xffff  }
0x19c: {  	vm12 =	vlt.s32 v7, $0x3C;
	vm3 =	vlt.s32 v4, $0x1D;
	v5 =	vmul.u32 $0x79, v5  }
0x19d: {  	v2 =	vadd.s32 $0x6197, v2;
	v7 =	vnsel vm12, $0x3C, v7;
	v4 =	vnsel vm3, $0x1D, v4  }
0x19e: {  	s0 =	sand.u32 $0x3C00, s21;
	v12 =	vld [tilespmem:s6+$0xDFB8];
	v4 =	vmul.u32 $0x79, v4;
	v5 =	vadd.s32 v7, v5;
	v7 =	vadd.s32 $0x1, v6  }
0x19f: {  	s7 =	sadd.s32 $0x16FB8, s0;
	v9 =	vnsel vm8, $0xC335, v2;
	v2 =	vnsel vm13, $0x3C, v8;
	v5 =	vmul.u32 $0x7, v5  }
0x1a0: {  	s8 =	sadd.s32 s14, s7;
	vm14 =	veq.s32 v3, v10;
	v2 =	vadd.s32 v2, v4;
	v4 =	vshll.u32 v11, $0x10  }
0x1a1: {  	v2 =	vmul.u32 $0x7, v2;
	v5 =	vadd.s32 $0x6197, v5;
	v8 =	vand.u32 $0xFFFF0000, v11;
	[tilespmem:s8+$0x0] =	vst v4  }
0x1a2: {  	v4 =	vnsel vm14, $0xC335, v5;
	[tilespmem:s8+$0x80] =	vst v8  }
0x1a3: {  	s12 =	simm.s32 $0xCFF8;
	s18 =	simm.s32 $0x40;
	vm15 =	veq.s32 v3, v12;
	v2 =	vadd.s32 $0x6197, v2;
	v7 =	vld.idx.msk [tilespmem:v7+s28+$0x0], $0xffff  }
0x1a4: {  	s2 =	sand.u32 $0x40, s18;
	v10 =	vld [tilespmem:s12+$0x0];
	v5 =	vnsel vm15, $0xC335, v2  }
0x1a5: {  	s9 =	simm.s32 $0xD7F8;
	s23 =	sor.u32 $0x30, s2;
	v8 =	vld.idx.msk [tilespmem:v9+s28+$0x0], $0xffff  }
0x1a6: {  	s1 =	sor.u32 $0x10, s2;
	s29 =	sor.u32 $0x20, s2;
	s6 =	sand.u32 $0x780, s18;
	v11 =	vadd.s32 $0x2, v6;
	v2 =	vld [tilespmem:s9+$0x0]  }
0x1a7: {  	s22 =	sor.u32 s6, s23;
	s24 =	sor.u32 s6, s1;
	s6 =	sor.u32 s6, s29;
	v12 =	vld.idx.msk [tilespmem:v4+s28+$0x0], $0xffff  }
0x1a8: {  	v21 =	vld [tilespmem:s6+$0xCFB8];
	v13 =	vadd.s32 $0x1, v9;
	v14 =	vshll.u32 v7, $0x10  }
0x1a9: {  	v15 =	vld.idx.msk [tilespmem:v5+s28+$0x0], $0xffff;
	v7 =	vand.u32 $0xFFFF0000, v7;
	[tilespmem:s8+$0x100] =	vst v14  }
0x1aa: {  	s13 =	sor.u32 s10, s7;
	v14 =	vshll.u32 v8, $0x10;
	[tilespmem:s8+$0x180] =	vst v7  }
0x1ab: {  	s3 =	simm.s32 $0x1;
	p1 =	por $0x0, $0x0;
	v25 =	vadd.s32 $0x5, v6;
	v16 =	vadd.s32 $0x1, v4;
	v7 =	vand.u32 $0xFFFF0000, v8;
	[tilespmem:s13+$0x0] =	vst v14;
	v11 =	vld.idx.msk [tilespmem:v11+s28+$0x0], $0xffff  }
0x1ac: {  	s3 =	simm.s32 @!p1 $0x0;
	s15 =	sadd.s32 s26, s7;
	v2 =	vsub.s32 v1, v2;
	[tilespmem:s13+$0x80] =	vst v7;
	v7 =	vsub.s32 v0, v10;
	v10 =	vshll.u32 v12, $0x10  }
0x1ad: {  	s16 =	sshll.u32 s3, $0x6;
	v21 =	vsub.s32 v0, v21;
	vm5 =	vgt.s32 v2, $0xFFFFFFC4;
	v13 =	vld.idx.msk [tilespmem:v13+s28+$0x0], $0xffff;
	v12 =	vand.u32 $0xFFFF0000, v12;
	[tilespmem:s15+$0x0] =	vst v10  }
0x1ae: {  	s17 =	sadd.s32 s11, s7;
	v23 =	vld [tilespmem:s22+$0xDFB8];
	s5 =	sadd.s32 $0x0, s16;
	v8 =	vadd.s32 $0x1, v5;
	vm4 =	vgt.s32 v7, $0xFFFFFFE3;
	v14 =	vand.u32 $0xFFFF0000, v15;
	[tilespmem:s15+$0x80] =	vst v12  }
0x1af: {  	s8 =	sadd.s32 $0x30, s5;
	v7 =	vnsel vm4, $0xFFFFFFE3, v7;
	v10 =	vshll.u32 v15, $0x10;
	v12 =	vadd.s32 $0x3, v6;
	[tilespmem:s17+$0x80] =	vst v14  }
0x1b0: {  	s19 =	simm.s32 $0xDFF8;
	s20 =	sor.u32 $0x200, s8;
	vm0 =	vlt.s32 v7, $0x1D;
	v15 =	vld.idx.msk [tilespmem:v16+s28+$0x0], $0xffff;
	[tilespmem:s17+$0x0] =	vst v10;
	v16 =	vadd.s32 $0x2, v9;
	v14 =	vshll.u32 v11, $0x10  }
0x1b1: {  	v2 =	vnsel vm5, $0xFFFFFFC4, v2;
	s21 =	sor.u32 $0x280, s8;
	v10 =	vld [tilespmem:s19+$0x0];
	v7 =	vnsel vm0, $0x1D, v7;
	v11 =	vand.u32 $0xFFFF0000, v11;
	[tilespmem:s20+$0x16FB8] =	vst v14  }
0x1b2: {  	vm6 =	vlt.s32 v2, $0x3C;
	v7 =	vmul.u32 $0x79, v7;
	v17 =	vshll.u32 v13, $0x10;
	[tilespmem:s21+$0x16FB8] =	vst v11;
	v11 =	vld [tilespmem:s22+$0xCFB8]  }
0x1b3: {  	vm13 =	veq.s32 v3, v23;
	v2 =	vnsel vm6, $0x3C, v2;
	v13 =	vand.u32 $0xFFFF0000, v13;
	[tilespmem:s13+$0x100] =	vst v17;
	v17 =	vld [tilespmem:s22+$0xD7B8]  }
0x1b4: {  	vm12 =	vgt.s32 v21, $0xFFFFFFE3;
	v18 =	vadd.s32 $0x2, v5;
	v2 =	vadd.s32 v2, v7;
	[tilespmem:s13+$0x180] =	vst v13;
	v7 =	vld.idx.msk [tilespmem:v12+s28+$0x0], $0xffff  }
0x1b5: {  	v19 =	vadd.s32 $0x3, v5;
	v14 =	vadd.s32 $0x2, v4;
	v12 =	vadd.s32 $0x3, v4;
	v16 =	vld.idx.msk [tilespmem:v16+s28+$0x0], $0xffff  }
0x1b6: {  	v2 =	vmul.u32 $0x7, v2;
	v13 =	vshll.u32 v15, $0x10;
	v15 =	vand.u32 $0xFFFF0000, v15  }
0x1b7: {  	v8 =	vld.idx.msk [tilespmem:v8+s28+$0x0], $0xffff;
	vm7 =	veq.s32 v3, v10;
	v10 =	vadd.s32 $0x4, v6;
	v11 =	vsub.s32 v0, v11  }
0x1b8: {  	v22 =	vld [tilespmem:s24+$0xD7B8];
	v2 =	vadd.s32 $0x6197, v2;
	v17 =	vsub.s32 v1, v17;
	vm8 =	vgt.s32 v11, $0xFFFFFFE3  }
0x1b9: {  	s25 =	sor.u32 $0x300, s8;
	[tilespmem:s15+$0x180] =	vst v15;
	v15 =	vld [tilespmem:s24+$0xCFB8];
	v20 =	vshll.u32 v7, $0x10;
	v7 =	vand.u32 $0xFFFF0000, v7;
	v11 =	vnsel vm8, $0xFFFFFFE3, v11  }
0x1ba: {  	s8 =	sor.u32 $0x380, s8;
	vm9 =	vgt.s32 v17, $0xFFFFFFC4;
	[tilespmem:s25+$0x16FB8] =	vst v20;
	v20 =	vshll.u32 v16, $0x10;
	vm0 =	vlt.s32 v11, $0x1D  }
0x1bb: {  	[tilespmem:s8+$0x16FB8] =	vst v7;
	v7 =	vand.u32 $0xFFFF0000, v16;
	v16 =	vnsel vm9, $0xFFFFFFC4, v17;
	v11 =	vnsel vm0, $0x1D, v11  }
0x1bc: {  	[tilespmem:s15+$0x100] =	vst v13;
	v13 =	vshll.u32 v8, $0x10;
	vm10 =	vlt.s32 v16, $0x3C;
	v11 =	vmul.u32 $0x79, v11  }
0x1bd: {  	v8 =	vand.u32 $0xFFFF0000, v8;
	v14 =	vld.idx.msk [tilespmem:v14+s28+$0x0], $0xffff;
	[tilespmem:s17+$0x100] =	vst v13;
	v13 =	vsub.s32 v1, v22;
	v16 =	vnsel vm10, $0x3C, v16  }
0x1be: {  	vm15 =	vgt.s32 v13, $0xFFFFFFC4;
	v15 =	vsub.s32 v0, v15;
	v10 =	vld.idx.msk [tilespmem:v10+s28+$0x0], $0xffff;
	v11 =	vadd.s32 v16, v11  }
0x1bf: {  	v13 =	vnsel vm15, $0xFFFFFFC4, v13;
	vm11 =	vgt.s32 v15, $0xFFFFFFE3;
	v16 =	vld [tilespmem:s6+$0xD7B8];
	v6 =	vmul.u32 $0x7, v11  }
0x1c0: {  	v2 =	vnsel vm7, $0xC335, v2;
	vm5 =	vlt.s32 v13, $0x3C;
	v15 =	vnsel vm11, $0xFFFFFFE3, v15  }
0x1c1: {  	s9 =	sadd.s32 $0x10, s5;
	s21 =	sor.u32 $0x200, s5;
	[tilespmem:s17+$0x180] =	vst v8;
	v17 =	vadd.s32 $0x3, v9;
	vm14 =	vlt.s32 v15, $0x1D;
	v6 =	vadd.s32 $0x6197, v6  }
0x1c2: {  	s19 =	sor.u32 $0x200, s9;
	v8 =	vld [tilespmem:s24+$0xDFB8];
	[tilespmem:s21+$0x16FB8] =	vst v20;
	v24 =	vshll.u32 v14, $0x10;
	v15 =	vnsel vm14, $0x1D, v15;
	v11 =	vnsel vm13, $0xC335, v6  }
0x1c3: {  	s20 =	sor.u32 $0x280, s9;
	v13 =	vnsel vm5, $0x3C, v13;
	v14 =	vand.u32 $0xFFFF0000, v14;
	[tilespmem:s19+$0x16FB8] =	vst v24;
	v15 =	vmul.u32 $0x79, v15;
	v6 =	vld.idx.msk [tilespmem:v18+s28+$0x0], $0xffff  }
0x1c4: {  	s22 =	sor.u32 $0x280, s5;
	s8 =	sadd.s32 $0x1AFB8, s0;
	[tilespmem:s20+$0x16FB8] =	vst v14;
	v26 =	vshll.u32 v10, $0x10;
	v18 =	vnsel vm12, $0xFFFFFFE3, v21;
	v14 =	vsub.s32 v1, v16  }
0x1c5: {  	s4 =	sadd.s32 $0x1B038, s0;
	[tilespmem:s22+$0x16FB8] =	vst v7;
	s24 =	sadd.s32 s14, s8;
	v12 =	vld.idx.msk [tilespmem:v12+s28+$0x0], $0xffff;
	v10 =	vand.u32 $0xFFFF0000, v10;
	vm7 =	vlt.s32 v18, $0x1D;
	vm6 =	vgt.s32 v14, $0xFFFFFFC4  }
0x1c6: {  	s13 =	sadd.s32 s14, s4;
	v13 =	vadd.s32 v13, v15;
	[tilespmem:s24+$0x0] =	vst v26;
	v16 =	vld [tilespmem:s6+$0xDFB8];
	v7 =	vnsel vm6, $0xFFFFFFC4, v14;
	v14 =	vnsel vm7, $0x1D, v18  }
0x1c7: {  	s25 =	sadd.s32 $0x20, s5;
	v13 =	vmul.u32 $0x7, v13;
	[tilespmem:s13+$0x0] =	vst v10;
	vm8 =	vlt.s32 v7, $0x3C;
	v10 =	vmul.u32 $0x79, v14;
	v15 =	vld.idx.msk [tilespmem:v11+s28+$0x0], $0xffff  }
0x1c8: {  	s15 =	sor.u32 $0x200, s25;
	vm9 =	veq.s32 v3, v8;
	v14 =	vld.idx.msk [tilespmem:v2+s28+$0x0], $0xffff;
	v8 =	vshll.u32 v6, $0x10;
	v7 =	vnsel vm8, $0x3C, v7  }
0x1c9: {  	s17 =	simm.s32 $0x200;
	s16 =	sor.u32 $0x280, s25;
	v18 =	vand.u32 $0xFFFF0000, v6;
	v6 =	vadd.s32 $0x6197, v13;
	[tilespmem:s15+$0x16FB8] =	vst v8;
	v7 =	vadd.s32 v7, v10  }
0x1ca: {  	s18 =	sor.u32 $0x300, s9;
	s3 =	sand.u32 $0x3C00, s17;
	v13 =	vld.idx.msk [tilespmem:v17+s28+$0x0], $0xffff;
	v8 =	vshll.u32 v12, $0x10;
	v6 =	vnsel vm9, $0xC335, v6;
	[tilespmem:s16+$0x16FB8] =	vst v18;
	v7 =	vmul.u32 $0x7, v7  }
0x1cb: {  	s19 =	sor.u32 $0x380, s9;
	s20 =	sadd.s32 $0x16FB8, s3;
	v10 =	vand.u32 $0xFFFF0000, v12;
	v12 =	vadd.s32 $0x1, v11;
	[tilespmem:s18+$0x16FB8] =	vst v8  }
0x1cc: {  	s15 =	sadd.s32 s23, s20;
	vm10 =	veq.s32 v3, v16;
	v8 =	vld.idx.msk [tilespmem:v19+s28+$0x0], $0xffff;
	[tilespmem:s19+$0x16FB8] =	vst v10;
	v7 =	vadd.s32 $0x6197, v7;
	v10 =	vshll.u32 v15, $0x10  }
0x1cd: {  	s21 =	sor.u32 s2, s20;
	v18 =	vnsel vm10, $0xC335, v7;
	v7 =	vand.u32 $0xFFFF0000, v14;
	[tilespmem:s15+$0x0] =	vst v10  }
0x1ce: {  	s22 =	sor.u32 $0x300, s25;
	v16 =	vld.idx.msk [tilespmem:v25+s28+$0x0], $0xffff;
	v10 =	vand.u32 $0xFFFF0000, v15;
	[tilespmem:s21+$0x80] =	vst v7  }
0x1cf: {  	s9 =	sor.u32 $0x380, s25;
	s25 =	sor.u32 $0x300, s5;
	s6 =	simm.s32 $0xD038;
	v21 =	vshll.u32 v13, $0x10;
	[tilespmem:s15+$0x80] =	vst v10;
	v10 =	vld.idx.msk [tilespmem:v6+s28+$0x0], $0xffff  }
0x1d0: {  	v19 =	vld [tilespmem:s6+$0x0];
	v15 =	vshll.u32 v14, $0x10;
	v14 =	vadd.s32 $0x1, v2;
	[tilespmem:s25+$0x16FB8] =	vst v21  }
0x1d1: {  	s24 =	simm.s32 $0xD838;
	[tilespmem:s21+$0x0] =	vst v15;
	v12 =	vld.idx.msk [tilespmem:v12+s28+$0x0], $0xffff;
	v7 =	vshll.u32 v8, $0x10  }
0x1d2: {  	v20 =	vld [tilespmem:s24+$0x0];
	v17 =	vadd.s32 $0x4, v4;
	v8 =	vand.u32 $0xFFFF0000, v8;
	[tilespmem:s22+$0x16FB8] =	vst v7  }
0x1d3: {  	s5 =	sor.u32 $0x380, s5;
	v22 =	vadd.s32 $0x2, v11;
	[tilespmem:s9+$0x16FB8] =	vst v8;
	v8 =	vand.u32 $0xFFFF0000, v13;
	v13 =	vld.idx.msk [tilespmem:v18+s28+$0x0], $0xffff  }
0x1d4: {  	s17 =	sadd.s32 s1, s20;
	v21 =	vshll.u32 v16, $0x10;
	v24 =	vand.u32 $0xFFFF0000, v16;
	[tilespmem:s5+$0x16FB8] =	vst v8;
	v23 =	vshll.u32 v10, $0x10  }
0x1d5: {  	v15 =	vadd.s32 $0x5, v5;
	v19 =	vsub.s32 v0, v19;
	v14 =	vld.idx.msk [tilespmem:v14+s28+$0x0], $0xffff;
	v10 =	vand.u32 $0xFFFF0000, v10;
	[tilespmem:s17+$0x0] =	vst v23  }
0x1d6: {  	v7 =	vadd.s32 $0x4, v5;
	v8 =	vadd.s32 $0x1, v6;
	v16 =	vshll.u32 v12, $0x10;
	[tilespmem:s17+$0x80] =	vst v10  }
0x1d7: {  	v5 =	vadd.s32 $0x4, v9;
	vm11 =	vgt.s32 v19, $0xFFFFFFE3;
	v12 =	vand.u32 $0xFFFF0000, v12;
	[tilespmem:s15+$0x100] =	vst v16;
	v16 =	vld.idx.msk [tilespmem:v17+s28+$0x0], $0xffff  }
0x1d8: {  	s9 =	sadd.s32 s29, s20;
	v17 =	vsub.s32 v1, v20;
	[tilespmem:s15+$0x180] =	vst v12;
	v12 =	vnsel vm11, $0xFFFFFFE3, v19;
	v19 =	vshll.u32 v13, $0x10  }
0x1d9: {  	p1 =	por !p1, !p1;
	s5 =	simm.s32 $0x1;
	vm12 =	vgt.s32 v17, $0xFFFFFFC4;
	vm0 =	vlt.s32 v12, $0x1D;
	v13 =	vand.u32 $0xFFFF0000, v13;
	v20 =	vld.idx.msk [tilespmem:v22+s28+$0x0], $0xffff;
	[tilespmem:s9+$0x0] =	vst v19  }
0x1da: {  	s5 =	simm.s32 @!p1 $0x0;
	v10 =	vnsel vm12, $0xFFFFFFC4, v17;
	v12 =	vnsel vm0, $0x1D, v12;
	v17 =	vshll.u32 v14, $0x10;
	[tilespmem:s9+$0x80] =	vst v13  }
0x1db: {  	s5 =	sshll.u32 s5, $0x6;
	v13 =	vand.u32 $0xFFFF0000, v14;
	v14 =	vld.idx.msk [tilespmem:v8+s28+$0x0], $0xffff;
	vm13 =	vlt.s32 v10, $0x3C;
	v12 =	vmul.u32 $0x79, v12;
	[tilespmem:s21+$0x100] =	vst v17  }
0x1dc: {  	s19 =	sadd.s32 s26, s8;
	v26 =	vld.idx.msk [tilespmem:v7+s28+$0x0], $0xffff;
	s15 =	sadd.s32 $0x200, s5;
	[tilespmem:s21+$0x180] =	vst v13;
	v7 =	vnsel vm13, $0x3C, v10;
	v10 =	vadd.s32 $0x3, v11;
	v8 =	vshll.u32 v16, $0x10  }
0x1dd: {  	s20 =	sadd.s32 s26, s4;
	s18 =	sadd.s32 $0x30, s15;
	v17 =	vand.u32 $0xFFFF0000, v16;
	[tilespmem:s19+$0x0] =	vst v8  }
0x1de: {  	s24 =	simm.s32 $0x80;
	v23 =	vadd.s32 $0x1, v18;
	v27 =	vld.idx.msk [tilespmem:v5+s28+$0x0], $0xffff;
	s21 =	sor.u32 $0x200, s18;
	v5 =	vadd.s32 v7, v12;
	v7 =	vshll.u32 v20, $0x10;
	[tilespmem:s20+$0x0] =	vst v17  }
0x1df: {  	s16 =	simm.s32 $0xE038;
	s22 =	sor.u32 $0x280, s18;
	[tilespmem:s21+$0x16FB8] =	vst v7;
	v7 =	vand.u32 $0xFFFF0000, v20;
	s21 =	sand.u32 $0x40, s24  }
0x1e0: {  	s7 =	sand.u32 $0x780, s24;
	v25 =	vadd.s32 $0x2, v2;
	v22 =	vld [tilespmem:s16+$0x0];
	v20 =	vshll.u32 v14, $0x10;
	[tilespmem:s22+$0x16FB8] =	vst v7;
	s13 =	sor.u32 $0x30, s21  }
0x1e1: {  	v4 =	vadd.s32 $0x5, v4;
	v14 =	vand.u32 $0xFFFF0000, v14;
	[tilespmem:s17+$0x100] =	vst v20;
	v20 =	vld.idx.msk [tilespmem:v10+s28+$0x0], $0xffff;
	s20 =	sor.u32 s7, s13  }
0x1e2: {  	v13 =	vadd.s32 $0x2, v6;
	[tilespmem:s17+$0x180] =	vst v14;
	v14 =	vld [tilespmem:s20+$0xCFB8]  }
0x1e3: {  	v12 =	vld.idx.msk [tilespmem:v23+s28+$0x0], $0xffff  }
0x1e4: {  	v5 =	vmul.u32 $0x7, v5;
	s17 =	sadd.s32 $0x1B0B8, s0;
	v30 =	vld [tilespmem:s20+$0xD7B8]  }
0x1e5: {  	v32 =	vadd.s32 $0x4, v11;
	v19 =	vadd.s32 $0x3, v18;
	v23 =	vld.idx.msk [tilespmem:v25+s28+$0x0], $0xffff;
	vm14 =	veq.s32 v3, v22;
	s0 =	sadd.s32 $0x1B138, s0;
	s25 =	sadd.s32 s14, s17  }
0x1e6: {  	v17 =	vadd.s32 $0x2, v18;
	v5 =	vadd.s32 $0x6197, v5;
	v22 =	vld.idx.msk [tilespmem:v4+s28+$0x0], $0xffff;
	v7 =	vadd.s32 $0x4, v18;
	s5 =	sadd.s32 s14, s0;
	[tilespmem:s25+$0x0] =	vst v21  }
0x1e7: {  	v4 =	vnsel vm14, $0xC335, v5;
	v13 =	vld.idx.msk [tilespmem:v13+s28+$0x0], $0xffff;
	s25 =	sor.u32 $0x300, s18;
	[tilespmem:s5+$0x0] =	vst v24;
	v35 =	vshll.u32 v20, $0x10;
	v14 =	vsub.s32 v0, v14  }
0x1e8: {  	v5 =	vadd.s32 $0x5, v18;
	s5 =	sor.u32 $0x380, s18;
	v20 =	vand.u32 $0xFFFF0000, v20;
	[tilespmem:s25+$0x16FB8] =	vst v35;
	vm15 =	vgt.s32 v14, $0xFFFFFFE3  }
0x1e9: {  	v29 =	vshll.u32 v12, $0x10;
	v30 =	vsub.s32 v1, v30;
	[tilespmem:s5+$0x16FB8] =	vst v20;
	v14 =	vnsel vm15, $0xFFFFFFE3, v14  }
0x1ea: {  	s12 =	sor.u32 $0x10, s21;
	v31 =	vshll.u32 v23, $0x10;
	[tilespmem:s9+$0x100] =	vst v29;
	s18 =	sor.u32 $0x200, s15;
	vm4 =	vgt.s32 v30, $0xFFFFFFC4;
	v29 =	vld.idx.msk [tilespmem:v32+s28+$0x0], $0xffff;
	vm0 =	vlt.s32 v14, $0x1D  }
0x1eb: {  	s22 =	sor.u32 s7, s12;
	s14 =	sor.u32 $0x20, s21;
	v12 =	vand.u32 $0xFFFF0000, v12;
	[tilespmem:s18+$0x16FB8] =	vst v31;
	s18 =	sadd.s32 $0x10, s15;
	v30 =	vnsel vm4, $0xFFFFFFC4, v30;
	v14 =	vnsel vm0, $0x1D, v14  }
0x1ec: {  	v21 =	vld [tilespmem:s22+$0xCFB8];
	s19 =	sor.u32 s7, s14;
	[tilespmem:s9+$0x180] =	vst v12;
	s9 =	sor.u32 $0x200, s18;
	v62 =	vshll.u32 v13, $0x10;
	vm5 =	vlt.s32 v30, $0x3C;
	v14 =	vmul.u32 $0x79, v14  }
0x1ed: {  	v18 =	vadd.s32 $0x5, v9;
	v23 =	vand.u32 $0xFFFF0000, v23;
	v9 =	vld [tilespmem:s19+$0xCFB8];
	s25 =	sor.u32 $0x280, s15;
	[tilespmem:s9+$0x16FB8] =	vst v62;
	v30 =	vnsel vm5, $0x3C, v30  }
0x1ee: {  	v25 =	vshll.u32 v26, $0x10;
	[tilespmem:s25+$0x16FB8] =	vst v23;
	s5 =	sadd.s32 s11, s8;
	v23 =	vadd.s32 v30, v14;
	v30 =	vld [tilespmem:s20+$0xDFB8];
	s20 =	sadd.s32 $0x1AFB8, s3  }
0x1ef: {  	s7 =	sadd.s32 $0x1B038, s3;
	v63 =	vld [tilespmem:s19+$0xD7B8];
	[tilespmem:s5+$0x0] =	vst v25;
	v25 =	vshll.u32 v29, $0x10;
	s25 =	sadd.s32 s23, s20  }
0x1f0: {  	v11 =	vadd.s32 $0x5, v11;
	v33 =	vld.idx.msk [tilespmem:v4+s28+$0x0], $0xffff;
	s5 =	sadd.s32 s23, s7;
	v29 =	vand.u32 $0xFFFF0000, v29;
	[tilespmem:s25+$0x0] =	vst v25  }
0x1f1: {  	s31 =	sor.u32 s10, s0;
	s9 =	sor.u32 s10, s17;
	v20 =	vld [tilespmem:s22+$0xD7B8];
	s8 =	sor.u32 s10, s8;
	[tilespmem:s5+$0x0] =	vst v29  }
0x1f2: {  	v36 =	vand.u32 $0xFFFF0000, v13;
	s25 =	sor.u32 s10, s4;
	s10 =	sor.u32 $0x280, s18;
	v29 =	vld [tilespmem:s22+$0xDFB8];
	[dreg:$0xa] =	wrdreg s9  }
0x1f3: {  	[tilespmem:s10+$0x16FB8] =	vst v36;
	s10 =	sadd.s32 s26, s17;
	s17 =	sadd.s32 s11, s17  }
0x1f4: {  	v16 =	vadd.s32 $0x3, v6;
	s5 =	sadd.s32 s26, s0;
	s0 =	sadd.s32 s11, s0;
	[dreg:$0xd] =	wrdreg s17  }
0x1f5: {  	v26 =	vand.u32 $0xFFFF0000, v26;
	v28 =	vshll.u32 v27, $0x10;
	v21 =	vsub.s32 v0, v21;
	s4 =	sadd.s32 s11, s4;
	v11 =	vld.idx.msk [tilespmem:v11+s28+$0x0], $0xffff;
	[dreg:$0xe] =	wrdreg s0  }
0x1f6: {  	v27 =	vand.u32 $0xFFFF0000, v27;
	vm6 =	vgt.s32 v21, $0xFFFFFFE3;
	v9 =	vsub.s32 v0, v9;
	[tilespmem:s4+$0x0] =	vst v26;
	v26 =	vld [tilespmem:s19+$0xDFB8];
	s19 =	sor.u32 s2, s20  }
0x1f7: {  	v34 =	vshll.u32 v22, $0x10;
	vm7 =	vgt.s32 v9, $0xFFFFFFE3;
	v21 =	vnsel vm6, $0xFFFFFFE3, v21;
	[dreg:$0x11] =	wrdreg s19  }
0x1f8: {  	v9 =	vnsel vm7, $0xFFFFFFE3, v9;
	vm0 =	vlt.s32 v21, $0x1D;
	v20 =	vsub.s32 v1, v20;
	s9 =	sadd.s32 s1, s20;
	s20 =	sadd.s32 s29, s20;
	[tilespmem:s8+$0x0] =	vst v28  }
0x1f9: {  	vm9 =	vlt.s32 v9, $0x1D;
	vm8 =	vgt.s32 v20, $0xFFFFFFC4;
	v23 =	vmul.u32 $0x7, v23;
	s22 =	sor.u32 s2, s7;
	v17 =	vld.idx.msk [tilespmem:v17+s28+$0x0], $0xffff;
	[dreg:$0x1a] =	wrdreg s20  }
0x1fa: {  	v21 =	vnsel vm0, $0x1D, v21;
	v20 =	vnsel vm8, $0xFFFFFFC4, v20;
	v25 =	vsub.s32 v1, v63;
	[dreg:$0x13] =	wrdreg s22  }
0x1fb: {  	vm10 =	vgt.s32 v25, $0xFFFFFFC4;
	v23 =	vadd.s32 $0x6197, v23;
	vm11 =	veq.s32 v3, v30;
	[tilespmem:s25+$0x0] =	vst v27;
	s25 =	sadd.s32 s29, s7  }
0x1fc: {  	v30 =	vnsel vm9, $0x1D, v9;
	v9 =	vnsel vm11, $0xC335, v23;
	v23 =	vnsel vm10, $0xFFFFFFC4, v25;
	v25 =	vld.idx.msk [tilespmem:v16+s28+$0x0], $0xffff;
	[dreg:$0x15] =	wrdreg s25  }
0x1fd: {  	v22 =	vand.u32 $0xFFFF0000, v22;
	v21 =	vmul.u32 $0x79, v21;
	vm12 =	vlt.s32 v20, $0x3C;
	s26 =	sadd.s32 $0x1B0B8, s3;
	[tilespmem:s10+$0x0] =	vst v34  }
0x1fe: {  	v8 =	vadd.s32 $0x4, v6;
	v24 =	vadd.s32 $0x3, v2;
	v20 =	vnsel vm12, $0x3C, v20;
	s3 =	sadd.s32 $0x1B138, s3;
	s11 =	sadd.s32 s1, s26;
	[tilespmem:s5+$0x0] =	vst v22  }
0x1ff: {  	v6 =	vadd.s32 $0x5, v6;
	v10 =	vadd.s32 $0x4, v2;
	v20 =	vadd.s32 v20, v21;
	s17 =	sor.u32 s2, s26;
	s19 =	sadd.s32 s1, s3;
	[dreg:$0x18] =	wrdreg s11  }
0x200: {  	s30 =	sor.u32 s2, s3;
	vm13 =	vlt.s32 v23, $0x3C;
	s2 =	sadd.s32 s23, s26;
	v16 =	vmul.u32 $0x79, v30;
	v21 =	vshll.u32 v11, $0x10;
	[dreg:$0x16] =	wrdreg s19  }
0x201: {  	v12 =	vadd.s32 $0x1, v4;
	v13 =	vshll.u32 v33, $0x10;
	v23 =	vnsel vm13, $0x3C, v23;
	s20 =	sadd.s32 s29, s26;
	[tilespmem:s2+$0x0] =	vst v21  }
0x202: {  	v20 =	vmul.u32 $0x7, v20;
	s22 =	sadd.s32 $0x20, s15;
	v11 =	vand.u32 $0xFFFF0000, v11;
	v16 =	vadd.s32 v23, v16;
	s5 =	sadd.s32 s23, s3;
	[dreg:$0xf] =	wrdreg s20  }
0x203: {  	v14 =	vand.u32 $0xFFFF0000, v33;
	s4 =	sadd.s32 s1, s7;
	s25 =	sor.u32 $0x200, s22;
	v21 =	vmul.u32 $0x7, v16;
	v24 =	vld.idx.msk [tilespmem:v24+s28+$0x0], $0xffff;
	[tilespmem:s5+$0x0] =	vst v11;
	v11 =	vshll.u32 v17, $0x10  }
0x204: {  	vm14 =	veq.s32 v3, v29;
	s1 =	simm.s32 $0x400;
	s8 =	simm.s32 $0x8;
	s26 =	sor.u32 $0x280, s22;
	vm15 =	veq.s32 v3, v26;
	[tilespmem:s25+$0x16FB8] =	vst v11;
	v11 =	vadd.s32 $0x6197, v20;
	v20 =	vld.idx.msk [tilespmem:v9+s28+$0x0], $0xffff  }
0x205: {  	s10 =	sor.u32 $0x380, s15;
	s23 =	sor.u32 $0x300, s18;
	v22 =	vadd.s32 $0x1, v9;
	s11 =	sor.u32 $0x380, s18;
	v17 =	vand.u32 $0xFFFF0000, v17;
	v16 =	vld.idx.msk [tilespmem:v18+s28+$0x0], $0xffff;
	v18 =	vadd.s32 $0x6197, v21  }
0x206: {  	s19 =	sor.u32 $0x300, s22;
	s18 =	sor.u32 $0x380, s22;
	s20 =	sadd.s32 s29, s3;
	v15 =	vld.idx.msk [tilespmem:v15+s28+$0x0], $0xffff;
	v21 =	vshll.u32 v25, $0x10;
	v18 =	vnsel vm15, $0xC335, v18;
	[tilespmem:s26+$0x16FB8] =	vst v17;
	v17 =	vnsel vm14, $0xC335, v11  }
0x207: {  	v29 =	vand.u32 $0xFFFF0000, v25;
	s3 =	sor.u32 $0x300, s15;
	s29 =	sand.u32 $0x3C00, s1;
	s15 =	simm.s32 $0xD878;
	[tilespmem:s23+$0x16FB8] =	vst v21;
	v25 =	vadd.s32 $0x1, v18;
	v27 =	vadd.s32 $0x1, v17;
	v28 =	vld.idx.msk [tilespmem:v19+s28+$0x0], $0xffff  }
.LBB2_5:
0x208: {  	s7 =	sadd.s32 $0x16FB8, s29  }
0x209: {  	v30 =	vld [tilespmem:s15+$0x0];
	[tilespmem:s11+$0x16FB8] =	vst v29;
	v19 =	vshll.u32 v20, $0x10;
	s5 =	sadd.s32 s13, s7  }
0x20a: {  	s6 =	sadd.s32 $0x40, s6;
	v20 =	vand.u32 $0xFFFF0000, v20;
	v31 =	vld.idx.msk [tilespmem:v8+s28+$0x0], $0xffff;
	[tilespmem:s5+$0x0] =	vst v19  }
0x20b: {  	v26 =	vadd.s32 $0x2, v17;
	s0 =	simm.s32 $0x0;
	s2 =	sor.u32 s21, s7;
	v32 =	vld [tilespmem:s6+$0x0];
	[tilespmem:s5+$0x80] =	vst v20  }
0x20c: {  	v21 =	vadd.s32 $0x3, v17;
	v23 =	vadd.s32 $0x2, v18;
	v11 =	vadd.s32 $0x3, v18;
	v33 =	vld.idx.msk [tilespmem:v17+s0+$0x0], $0xffff;
	[tilespmem:s2+$0x0] =	vst v13  }
0x20d: {  	v29 =	vshll.u32 v24, $0x10;
	v24 =	vand.u32 $0xFFFF0000, v24;
	v34 =	vadd.s32 $0x5, v17;
	[tilespmem:s2+$0x80] =	vst v14;
	v13 =	vld.idx.msk [tilespmem:v22+s0+$0x0], $0xffff  }
0x20e: {  	v35 =	vadd.s32 $0x4, v18;
	v8 =	vadd.s32 $0x4, v17;
	v17 =	vshll.u32 v16, $0x10;
	v12 =	vld.idx.msk [tilespmem:v12+s0+$0x0], $0xffff;
	[tilespmem:s3+$0x16FB8] =	vst v29  }
0x20f: {  	v20 =	vand.u32 $0xFFFF0000, v15;
	v22 =	vshll.u32 v15, $0x10;
	v15 =	vshll.u32 v28, $0x10;
	[tilespmem:s10+$0x16FB8] =	vst v24  }
0x210: {  	v19 =	vadd.s32 $0x5, v18;
	v14 =	vld.idx.msk [tilespmem:v18+s0+$0x0], $0xffff;
	v18 =	vand.u32 $0xFFFF0000, v16;
	v28 =	vand.u32 $0xFFFF0000, v28;
	[tilespmem:s19+$0x16FB8] =	vst v15  }
0x211: {  	s23 =	sadd.s32 s12, s7;
	v15 =	vsub.s32 v0, v32;
	[tilespmem:s18+$0x16FB8] =	vst v28;
	v28 =	vadd.s32 $0x2, v9;
	v54 =	vshll.u32 v33, $0x10  }
0x212: {  	v16 =	vsub.s32 v1, v30;
	v33 =	vand.u32 $0xFFFF0000, v33;
	vm0 =	vgt.s32 v15, $0xFFFFFFE3;
	[tilespmem:s23+$0x0] =	vst v54  }
0x213: {  	v10 =	vld.idx.msk [tilespmem:v10+s0+$0x0], $0xffff;
	vm1 =	vgt.s32 v16, $0xFFFFFFC4;
	[tilespmem:s23+$0x80] =	vst v33;
	v15 =	vnsel vm0, $0xFFFFFFE3, v15;
	v24 =	vshll.u32 v13, $0x10  }
0x214: {  	v29 =	vld.idx.msk [tilespmem:v7+s0+$0x0], $0xffff;
	v16 =	vnsel vm1, $0xFFFFFFC4, v16;
	v13 =	vand.u32 $0xFFFF0000, v13;
	vm0 =	vlt.s32 v15, $0x1D;
	[tilespmem:s5+$0x100] =	vst v24  }
0x215: {  	s28 =	sadd.s32 s14, s7;
	v55 =	vshll.u32 v14, $0x10;
	v14 =	vand.u32 $0xFFFF0000, v14;
	v27 =	vld.idx.msk [tilespmem:v27+s0+$0x0], $0xffff;
	[tilespmem:s5+$0x180] =	vst v13;
	v15 =	vnsel vm0, $0x1D, v15  }
0x216: {  	s16 =	sadd.s32 $0x40, s16;
	p1 =	por !p1, !p1;
	s3 =	simm.s32 $0x1;
	vm4 =	vlt.s32 v16, $0x3C;
	[tilespmem:s28+$0x0] =	vst v55;
	v13 =	vmul.u32 $0x79, v15;
	v15 =	vadd.s32 $0x2, v4;
	v28 =	vld.idx.msk [tilespmem:v28+s0+$0x0], $0xffff  }
0x217: {  	s3 =	simm.s32 @!p1 $0x0;
	v30 =	vshll.u32 v31, $0x10;
	[tilespmem:s28+$0x80] =	vst v14;
	v24 =	vld [tilespmem:s16+$0x0];
	v16 =	vnsel vm4, $0x3C, v16  }
0x218: {  	s3 =	sshll.u32 s3, $0x6;
	v56 =	vshll.u32 v12, $0x10;
	[tilespmem:s9+$0x0] =	vst v30;
	v13 =	vadd.s32 v16, v13  }
0x219: {  	s10 =	sadd.s32 s3, s1;
	v12 =	vand.u32 $0xFFFF0000, v12;
	[tilespmem:s2+$0x100] =	vst v56;
	v13 =	vmul.u32 $0x7, v13  }
0x21a: {  	[smem:$0x7F0] =	sst s31;
	v31 =	vand.u32 $0xFFFF0000, v31;
	s31 =	sadd.s32 $0x30, s10;
	v14 =	vld.idx.msk [tilespmem:v25+s0+$0x0], $0xffff;
	[tilespmem:s2+$0x180] =	vst v12;
	v25 =	vand.u32 $0xFFFF0000, v10;
	v16 =	vshll.u32 v10, $0x10  }
0x21b: {  	s19 =	sor.u32 $0x200, s31;
	[tilespmem:s4+$0x0] =	vst v31;
	v10 =	vadd.s32 $0x3, v9;
	v12 =	vadd.s32 $0x6197, v13;
	v13 =	vld.idx.msk [tilespmem:v15+s0+$0x0], $0xffff;
	v15 =	vshll.u32 v28, $0x10  }
0x21c: {  	s18 =	sadd.s32 $0x20, s10;
	vm5 =	veq.s32 v3, v24;
	v24 =	vshll.u32 v27, $0x10;
	[tilespmem:s19+$0x16FB8] =	vst v15  }
0x21d: {  	s24 =	sadd.s32 $0x40, s24;
	s22 =	sor.u32 $0x280, s18;
	v27 =	vand.u32 $0xFFFF0000, v27;
	v12 =	vnsel vm5, $0xC335, v12;
	v15 =	vand.u32 $0xFFFF0000, v28;
	v28 =	vld.idx.msk [tilespmem:v6+s0+$0x0], $0xffff;
	[tilespmem:s23+$0x100] =	vst v24  }
0x21e: {  	s25 =	sor.u32 $0x280, s31;
	[smem:$0x7F2] =	sst s22;
	s22 =	sand.u32 $0x40, s24;
	[tilespmem:s23+$0x180] =	vst v27  }
0x21f: {  	s7 =	sand.u32 $0x780, s24;
	[tilespmem:s25+$0x16FB8] =	vst v15;
	v15 =	vshll.u32 v14, $0x10;
	s25 =	sor.u32 $0x30, s22;
	v26 =	vld.idx.msk [tilespmem:v26+s0+$0x0], $0xffff  }
0x220: {  	[dreg:$0x1d] =	wrdreg s20;
	v14 =	vand.u32 $0xFFFF0000, v14;
	v24 =	vld.idx.msk [tilespmem:v10+s0+$0x0], $0xffff;
	[tilespmem:s28+$0x100] =	vst v15;
	s4 =	sor.u32 s7, s25  }
0x221: {  	s2 =	sor.u32 $0x200, s18;
	s5 =	smov.u32 s17;
	s17 =	sor.u32 $0x200, s10;
	[tilespmem:s28+$0x180] =	vst v14;
	v14 =	vld [tilespmem:s4+$0xCFB8];
	v10 =	vshll.u32 v13, $0x10  }
0x222: {  	[smem:$0x7F1] =	sst s2;
	s2 =	sor.u32 $0x280, s10;
	s23 =	sor.u32 $0x10, s22;
	v13 =	vand.u32 $0xFFFF0000, v13;
	v15 =	vld.idx.msk [tilespmem:v12+s0+$0x0], $0xffff;
	[tilespmem:s17+$0x16FB8] =	vst v10  }
0x223: {  	s3 =	sadd.s32 $0x10, s10;
	v57 =	vshll.u32 v29, $0x10;
	v58 =	vld [tilespmem:s4+$0xD7B8];
	s0 =	sor.u32 s7, s23;
	s17 =	rddreg [dreg:$0x1a];
	[tilespmem:s2+$0x16FB8] =	vst v13  }
0x224: {  	s20 =	smov.u32 s30;
	s30 =	sor.u32 $0x200, s3;
	s26 =	sor.u32 $0x300, s3;
	v27 =	vadd.s32 $0x4, v9;
	v31 =	vld [tilespmem:s0+$0xCFB8];
	[tilespmem:s17+$0x0] =	vst v57;
	v36 =	vshll.u32 v26, $0x10  }
0x225: {  	[smem:$0x7F3] =	sst s26;
	s26 =	sor.u32 $0x20, s22;
	s2 =	sor.u32 $0x300, s31;
	v60 =	vld [tilespmem:s0+$0xD7B8];
	v13 =	vshll.u32 v24, $0x10;
	[tilespmem:s30+$0x16FB8] =	vst v36  }
0x226: {  	s9 =	sor.u32 $0x280, s3;
	s7 =	sor.u32 s7, s26;
	v26 =	vand.u32 $0xFFFF0000, v26;
	[tilespmem:s2+$0x16FB8] =	vst v13  }
0x227: {  	s17 =	sor.u32 $0x380, s31;
	v32 =	vld [tilespmem:s7+$0xCFB8];
	v13 =	vand.u32 $0xFFFF0000, v24;
	[tilespmem:s9+$0x16FB8] =	vst v26  }
0x228: {  	v29 =	vand.u32 $0xFFFF0000, v29;
	s28 =	simm.s32 $0x0;
	v37 =	vsub.s32 v0, v14;
	[tilespmem:s17+$0x16FB8] =	vst v13;
	v26 =	vld [tilespmem:s0+$0xDFB8];
	s17 =	rddreg [dreg:$0x11]  }
0x229: {  	v33 =	vsub.s32 v1, v58;
	s9 =	rddreg [dreg:$0x15];
	vm6 =	vgt.s32 v37, $0xFFFFFFE3;
	v13 =	vshll.u32 v15, $0x10;
	v27 =	vld.idx.msk [tilespmem:v27+s28+$0x0], $0xffff;
	[tilespmem:s17+$0x0] =	vst v16  }
0x22a: {  	s2 =	rddreg [dreg:$0x13];
	v14 =	vand.u32 $0xFFFF0000, v15;
	v61 =	vnsel vm6, $0xFFFFFFE3, v37;
	v15 =	vsub.s32 v0, v31;
	v31 =	vld [tilespmem:s7+$0xD7B8];
	[tilespmem:s9+$0x0] =	vst v29  }
0x22b: {  	v30 =	vshll.u32 v28, $0x10;
	vm2 =	vgt.s32 v33, $0xFFFFFFC4;
	s0 =	sadd.s32 $0x1AFB8, s29;
	vm0 =	vlt.s32 v61, $0x1D;
	[tilespmem:s2+$0x0] =	vst v25;
	v29 =	vld [tilespmem:s7+$0xDFB8];
	s7 =	rddreg [dreg:$0x18]  }
0x22c: {  	v28 =	vand.u32 $0xFFFF0000, v28;
	v33 =	vnsel vm2, $0xFFFFFFC4, v33;
	s17 =	rddreg [dreg:$0x16];
	s9 =	sor.u32 s21, s0;
	s2 =	sadd.s32 $0x1B038, s29;
	v16 =	vnsel vm0, $0x1D, v61;
	[tilespmem:s7+$0x0] =	vst v30  }
0x22d: {  	vm2 =	vlt.s32 v33, $0x3C;
	vm7 =	vgt.s32 v15, $0xFFFFFFE3;
	[dreg:$0x11] =	wrdreg s9;
	v16 =	vmul.u32 $0x79, v16;
	v21 =	vld.idx.msk [tilespmem:v21+s28+$0x0], $0xffff;
	[tilespmem:s17+$0x0] =	vst v28;
	s17 =	sadd.s32 s14, s2  }
0x22e: {  	v25 =	vld [tilespmem:s4+$0xDFB8];
	s4 =	sadd.s32 s13, s0;
	s9 =	sor.u32 s21, s2;
	v30 =	vnsel vm7, $0xFFFFFFE3, v15;
	v15 =	vnsel vm2, $0x3C, v33;
	v62 =	vshll.u32 v27, $0x10;
	[dreg:$0x15] =	wrdreg s17  }
0x22f: {  	s7 =	sadd.s32 s13, s2;
	v15 =	vadd.s32 v15, v16;
	v16 =	vand.u32 $0xFFFF0000, v27;
	[tilespmem:s4+$0x0] =	vst v62;
	s4 =	sadd.s32 s12, s2;
	s2 =	rddreg [dreg:$0xd]  }
0x230: {  	v59 =	vadd.s32 $0x5, v2;
	v2 =	vmov v4;
	v9 =	vadd.s32 $0x5, v9;
	v23 =	vld.idx.msk [tilespmem:v23+s28+$0x0], $0xffff;
	[tilespmem:s7+$0x0] =	vst v16;
	s7 =	rddreg [dreg:$0xf]  }
0x231: {  	v24 =	vadd.s32 $0x3, v2;
	v32 =	vsub.s32 v0, v32;
	v63 =	vmul.u32 $0x7, v15;
	v15 =	vld.idx.msk [tilespmem:v5+s28+$0x0], $0xffff;
	[tilespmem:s2+$0x0] =	vst v22;
	s2 =	rddreg [dreg:$0xe]  }
0x232: {  	vm8 =	vgt.s32 v32, $0xFFFFFFE3;
	s17 =	smov.u32 s7;
	s7 =	rddreg [dreg:$0x1d]  }
0x233: {  	v28 =	vnsel vm8, $0xFFFFFFE3, v32;
	[tilespmem:s2+$0x0] =	vst v20;
	s2 =	rddreg [dreg:$0xa]  }
0x234: {  	s8 =	sadd.s32 $0x4, s8;
	vm9 =	vlt.s32 v30, $0x1D;
	v27 =	vsub.s32 v1, v60;
	vm11 =	vlt.s32 v28, $0x1D;
	[dreg:$0xd] =	wrdreg s17;
	s17 =	smov.u32 s7  }
0x235: {  	s15 =	sadd.s32 $0x40, s15;
	p2 =	slt.u32 s8, $0x7C;
	v31 =	vsub.s32 v1, v31;
	vm4 =	veq.s32 v3, v25;
	v33 =	vld.idx.msk [tilespmem:v9+s28+$0x0], $0xffff;
	v9 =	vadd.s32 $0x6197, v63;
	[dreg:$0xe] =	wrdreg s17  }
0x236: {  	s1 =	sadd.s32 $0x200, s1;
	s11 =	sor.u32 $0x380, s3;
	v24 =	vld.idx.msk [tilespmem:v24+s28+$0x0], $0xffff;
	vm10 =	vgt.s32 v27, $0xFFFFFFC4;
	v5 =	vmovc v19;
	v19 =	vnsel vm9, $0x1D, v30;
	v9 =	vnsel vm4, $0xC335, v9;
	s17 =	sld [smem:$0x7F0]  }
0x237: {  	[dreg:$0x13] =	wrdreg s9;
	s9 =	sadd.s32 s12, s0;
	s0 =	sadd.s32 s14, s0;
	vm3 =	vgt.s32 v31, $0xFFFFFFC4;
	v16 =	vld.idx.msk [tilespmem:v59+s28+$0x0], $0xffff;
	v19 =	vmul.u32 $0x79, v19;
	[tilespmem:s2+$0x0] =	vst v17;
	v17 =	vnsel vm10, $0xFFFFFFC4, v27  }
0x238: {  	[dreg:$0x1a] =	wrdreg s0;
	s0 =	sadd.s32 $0x1B0B8, s29;
	v20 =	vnsel vm11, $0x1D, v28;
	v22 =	vnsel vm3, $0xFFFFFFC4, v31;
	s2 =	sadd.s32 $0x1B138, s29;
	vm12 =	vlt.s32 v17, $0x3C  }
0x239: {  	vm13 =	vlt.s32 v22, $0x3C;
	s30 =	sor.u32 s21, s2;
	v17 =	vnsel vm12, $0x3C, v17;
	[tilespmem:s17+$0x0] =	vst v18;
	v18 =	vmul.u32 $0x79, v20;
	s17 =	sor.u32 s21, s0;
	s21 =	sadd.s32 s12, s0  }
0x23a: {  	s31 =	smov.u32 s20;
	s20 =	sadd.s32 s13, s0;
	v17 =	vadd.s32 v17, v19;
	v20 =	vnsel vm13, $0x3C, v22;
	v19 =	vshll.u32 v33, $0x10;
	[dreg:$0x18] =	wrdreg s21  }
0x23b: {  	s3 =	sor.u32 $0x300, s10;
	v10 =	vadd.s32 $0x4, v4;
	v4 =	vmov v12;
	s21 =	sld [smem:$0x7F1];
	v18 =	vadd.s32 v20, v18;
	v20 =	vld.idx.msk [tilespmem:v9+s28+$0x0], $0xffff;
	[tilespmem:s20+$0x0] =	vst v19;
	s20 =	sadd.s32 s12, s2  }
0x23c: {  	v12 =	vadd.s32 $0x1, v4;
	s13 =	sadd.s32 s13, s2;
	s0 =	sadd.s32 s14, s0;
	v19 =	vand.u32 $0xFFFF0000, v33;
	[dreg:$0x16] =	wrdreg s20  }
.Ltmp1:
0x23d: {  	vm14 =	veq.s32 v3, v26;
	v17 =	vmul.u32 $0x7, v17;
	v18 =	vmul.u32 $0x7, v18;
	[tilespmem:s13+$0x0] =	vst v19;
	s13 =	smov.u32 s25;
	s25 =	sld [smem:$0x7F2];
	(pc) =	sbr.rel @p2 .LBB2_5-.Ltmp1, $4  }
0x23e: {  	vm15 =	veq.s32 v3, v29;
	v29 =	vand.u32 $0xFFFF0000, v21;
	v22 =	vshll.u32 v23, $0x10;
	s20 =	sadd.s32 s14, s2;
	s14 =	smov.u32 s26;
	s26 =	sld [smem:$0x7F3]  }
0x23f: {  	s10 =	sor.u32 $0x380, s10;
	s19 =	sor.u32 $0x300, s18;
	s7 =	smov.u32 s5;
	v23 =	vand.u32 $0xFFFF0000, v23;
	v17 =	vadd.s32 $0x6197, v17;
	[tilespmem:s21+$0x16FB8] =	vst v22;
	v18 =	vadd.s32 $0x6197, v18  }
0x240: {  	s18 =	sor.u32 $0x380, s18;
	s29 =	sand.u32 $0x3C00, s1;
	[dreg:$0xa] =	wrdreg s7;
	v19 =	vshll.u32 v21, $0x10;
	v17 =	vnsel vm14, $0xC335, v17;
	v18 =	vnsel vm15, $0xC335, v18;
	[tilespmem:s25+$0x16FB8] =	vst v23  }
0x241: {  	v7 =	vmovc v35;
	v6 =	vmovc v34;
	[dreg:$0xf] =	wrdreg s0;
	s12 =	smov.u32 s23;
	s21 =	smov.u32 s22;
	v27 =	vadd.s32 $0x1, v17;
	v22 =	vadd.s32 $0x1, v9;
	[tilespmem:s26+$0x16FB8] =	vst v19;
	v25 =	vadd.s32 $0x1, v18;
	v28 =	vld.idx.msk [tilespmem:v11+s28+$0x0], $0xffff  }
0x242: {  	_ = 	snop  }
0x243: {  	s0 =	sadd.s32 $0x16FB8, s29;
	[tilespmem:s11+$0x16FB8] =	vst v29;
	v40 =	vshll.u32 v24, $0x10  }
0x244: {  	v0 =	vshll.u32 v20, $0x10;
	s2 =	sadd.s32 s13, s0;
	[tilespmem:s3+$0x16FB8] =	vst v40  }
0x245: {  	v37 =	vand.u32 $0xFFFF0000, v20;
	[tilespmem:s2+$0x0] =	vst v0  }
0x246: {  	v1 =	vld.idx.msk [tilespmem:v17+s28+$0x0], $0xffff;
	s6 =	sor.u32 s21, s0;
	[tilespmem:s2+$0x80] =	vst v37  }
0x247: {  	[tilespmem:s6+$0x0] =	vst v13  }
0x248: {  	v41 =	vand.u32 $0xFFFF0000, v24;
	v44 =	vld.idx.msk [tilespmem:v18+s28+$0x0], $0xffff;
	[tilespmem:s6+$0x80] =	vst v14  }
0x249: {  	[tilespmem:s10+$0x16FB8] =	vst v41;
	v38 =	vshll.u32 v28, $0x10  }
0x24a: {  	v8 =	vld.idx.msk [tilespmem:v8+s28+$0x0], $0xffff;
	v3 =	vand.u32 $0xFFFF0000, v28;
	[tilespmem:s19+$0x16FB8] =	vst v38  }
0x24b: {  	s24 =	sadd.s32 s12, s0;
	v45 =	vshll.u32 v1, $0x10;
	[tilespmem:s18+$0x16FB8] =	vst v3  }
0x24c: {  	v39 =	vld.idx.msk [tilespmem:v22+s28+$0x0], $0xffff;
	v47 =	vand.u32 $0xFFFF0000, v1;
	[tilespmem:s24+$0x0] =	vst v45  }
0x24d: {  	s0 =	sadd.s32 s14, s0;
	v49 =	vshll.u32 v44, $0x10;
	[tilespmem:s24+$0x80] =	vst v47  }
0x24e: {  	v11 =	vld.idx.msk [tilespmem:v12+s28+$0x0], $0xffff;
	v51 =	vand.u32 $0xFFFF0000, v44;
	[tilespmem:s0+$0x0] =	vst v49  }
0x24f: {  	v42 =	vadd.s32 $0x2, v9;
	v53 =	vshll.u32 v8, $0x10;
	[tilespmem:s0+$0x80] =	vst v51  }
0x250: {  	v54 =	vand.u32 $0xFFFF0000, v8;
	v52 =	vld.idx.msk [tilespmem:v27+s28+$0x0], $0xffff;
	[tilespmem:s9+$0x0] =	vst v53  }
0x251: {  	v50 =	vadd.s32 $0x2, v4;
	v43 =	vshll.u32 v39, $0x10;
	[tilespmem:s4+$0x0] =	vst v54  }
0x252: {  	v55 =	vld.idx.msk [tilespmem:v25+s28+$0x0], $0xffff;
	v0 =	vand.u32 $0xFFFF0000, v39;
	[tilespmem:s2+$0x100] =	vst v43  }
0x253: {  	v46 =	vshll.u32 v11, $0x10;
	[tilespmem:s2+$0x180] =	vst v0  }
0x254: {  	p1 =	por !p1, !p1;
	s3 =	simm.s32 $0x1;
	v11 =	vand.u32 $0xFFFF0000, v11;
	[tilespmem:s6+$0x100] =	vst v46;
	v48 =	vld.idx.msk [tilespmem:v42+s28+$0x0], $0xffff  }
0x255: {  	v58 =	vadd.s32 $0x2, v17;
	s3 =	simm.s32 @!p1 $0x0;
	[tilespmem:s6+$0x180] =	vst v11;
	v59 =	vshll.u32 v52, $0x10  }
0x256: {  	s3 =	sshll.u32 s3, $0x6;
	v11 =	vld.idx.msk [tilespmem:v50+s28+$0x0], $0xffff;
	v61 =	vand.u32 $0xFFFF0000, v52;
	[tilespmem:s24+$0x100] =	vst v59  }
0x257: {  	v56 =	vadd.s32 $0x3, v9;
	s1 =	sadd.s32 s3, s1;
	v62 =	vshll.u32 v55, $0x10;
	[tilespmem:s24+$0x180] =	vst v61  }
0x258: {  	s3 =	sadd.s32 $0x30, s1;
	v8 =	vand.u32 $0xFFFF0000, v55;
	[tilespmem:s0+$0x100] =	vst v62  }
0x259: {  	s25 =	sor.u32 $0x200, s3;
	v60 =	vld.idx.msk [tilespmem:v7+s28+$0x0], $0xffff;
	[tilespmem:s0+$0x180] =	vst v8;
	v57 =	vshll.u32 v48, $0x10  }
0x25a: {  	s26 =	sor.u32 $0x280, s3;
	v0 =	vld.idx.msk [tilespmem:v58+s28+$0x0], $0xffff;
	v1 =	vand.u32 $0xFFFF0000, v48;
	[tilespmem:s25+$0x16FB8] =	vst v57  }
0x25b: {  	s2 =	sor.u32 $0x200, s1;
	v8 =	vshll.u32 v11, $0x10;
	[tilespmem:s26+$0x16FB8] =	vst v1  }
0x25c: {  	s4 =	sor.u32 $0x280, s1;
	v11 =	vand.u32 $0xFFFF0000, v11;
	[tilespmem:s2+$0x16FB8] =	vst v8;
	v63 =	vld.idx.msk [tilespmem:v56+s28+$0x0], $0xffff  }
0x25d: {  	[tilespmem:s4+$0x16FB8] =	vst v11  }
0x25e: {  	s6 =	sadd.s32 $0x10, s1;
	v12 =	vshll.u32 v60, $0x10;
	s0 =	rddreg [dreg:$0x1a]  }
0x25f: {  	s8 =	sor.u32 $0x200, s6;
	[tilespmem:s0+$0x0] =	vst v12;
	v20 =	vshll.u32 v0, $0x10  }
0x260: {  	s9 =	sor.u32 $0x280, s6;
	v0 =	vand.u32 $0xFFFF0000, v0;
	[tilespmem:s8+$0x16FB8] =	vst v20  }
0x261: {  	v13 =	vadd.s32 $0x4, v9;
	v10 =	vld.idx.msk [tilespmem:v10+s28+$0x0], $0xffff;
	s5 =	sor.u32 $0x300, s3;
	[tilespmem:s9+$0x16FB8] =	vst v0;
	v14 =	vshll.u32 v63, $0x10  }
0x262: {  	v19 =	vadd.s32 $0x2, v18;
	s7 =	sor.u32 $0x380, s3;
	v7 =	vand.u32 $0xFFFF0000, v63;
	[tilespmem:s5+$0x16FB8] =	vst v14  }
0x263: {  	[tilespmem:s7+$0x16FB8] =	vst v7  }
0x264: {  	v21 =	vand.u32 $0xFFFF0000, v60;
	s0 =	rddreg [dreg:$0x15]  }
0x265: {  	v6 =	vld.idx.msk [tilespmem:v6+s28+$0x0], $0xffff;
	[tilespmem:s0+$0x0] =	vst v21  }
0x266: {  	v24 =	vshll.u32 v10, $0x10;
	v22 =	vld.idx.msk [tilespmem:v13+s28+$0x0], $0xffff;
	s0 =	rddreg [dreg:$0x11]  }
0x267: {  	v1 =	vld.idx.msk [tilespmem:v19+s28+$0x0], $0xffff;
	[tilespmem:s0+$0x0] =	vst v24  }
0x268: {  	v23 =	vadd.s32 $0x3, v17;
	v25 =	vand.u32 $0xFFFF0000, v10;
	s0 =	rddreg [dreg:$0x13]  }
0x269: {  	[tilespmem:s0+$0x0] =	vst v25  }
0x26a: {  	s10 =	sadd.s32 $0x1AFB8, s29;
	v26 =	vshll.u32 v6, $0x10;
	s0 =	rddreg [dreg:$0x18]  }
0x26b: {  	s11 =	sadd.s32 s13, s10;
	s15 =	sadd.s32 $0x20, s1;
	v28 =	vshll.u32 v22, $0x10;
	[tilespmem:s0+$0x0] =	vst v26  }
0x26c: {  	s18 =	sor.u32 $0x200, s15;
	v30 =	vshll.u32 v1, $0x10;
	s5 =	rddreg [dreg:$0x16];
	[tilespmem:s11+$0x0] =	vst v28  }
0x26d: {  	v29 =	vadd.s32 $0x3, v4;
	v6 =	vand.u32 $0xFFFF0000, v6;
	v0 =	vld.idx.msk [tilespmem:v23+s28+$0x0], $0xffff;
	s0 =	sadd.s32 $0x1B038, s29;
	[tilespmem:s18+$0x16FB8] =	vst v30  }
0x26e: {  	v27 =	vadd.s32 $0x3, v18;
	v3 =	vand.u32 $0xFFFF0000, v22;
	s16 =	sadd.s32 s13, s0;
	[tilespmem:s5+$0x0] =	vst v6  }
0x26f: {  	s19 =	sor.u32 $0x280, s15;
	v1 =	vand.u32 $0xFFFF0000, v1;
	[tilespmem:s16+$0x0] =	vst v3  }
0x270: {  	[tilespmem:s19+$0x16FB8] =	vst v1  }
0x271: {  	v32 =	vshll.u32 v15, $0x10;
	s4 =	rddreg [dreg:$0xd]  }
0x272: {  	v31 =	vadd.s32 $0x4, v17;
	s22 =	sor.u32 $0x300, s6;
	v35 =	vshll.u32 v0, $0x10;
	v3 =	vld.idx.msk [tilespmem:v29+s28+$0x0], $0xffff;
	[tilespmem:s4+$0x0] =	vst v32  }
0x273: {  	v33 =	vand.u32 $0xFFFF0000, v15;
	v7 =	vld.idx.msk [tilespmem:v27+s28+$0x0], $0xffff;
	s4 =	rddreg [dreg:$0xe];
	[tilespmem:s22+$0x16FB8] =	vst v35  }
0x274: {  	v34 =	vadd.s32 $0x5, v9;
	s2 =	sor.u32 $0x380, s6;
	v0 =	vand.u32 $0xFFFF0000, v0;
	[tilespmem:s4+$0x0] =	vst v33  }
0x275: {  	[tilespmem:s2+$0x16FB8] =	vst v0  }
0x276: {  	v37 =	vshll.u32 v16, $0x10;
	v39 =	vadd.s32 $0x4, v4;
	s2 =	rddreg [dreg:$0xa]  }
0x277: {  	v36 =	vadd.s32 $0x4, v18;
	s25 =	sor.u32 $0x300, s1;
	v1 =	vld.idx.msk [tilespmem:v31+s28+$0x0], $0xffff;
	v42 =	vshll.u32 v3, $0x10;
	[tilespmem:s2+$0x0] =	vst v37  }
0x278: {  	s23 =	sor.u32 $0x300, s15;
	v40 =	vshll.u32 v7, $0x10;
	[tilespmem:s25+$0x16FB8] =	vst v42  }
0x279: {  	s1 =	sor.u32 $0x380, s1;
	v6 =	vld.idx.msk [tilespmem:v34+s28+$0x0], $0xffff;
	v3 =	vand.u32 $0xFFFF0000, v3;
	[tilespmem:s23+$0x16FB8] =	vst v40  }
0x27a: {  	v41 =	vadd.s32 $0x5, v17;
	s24 =	sor.u32 $0x380, s15;
	v7 =	vand.u32 $0xFFFF0000, v7;
	[tilespmem:s1+$0x16FB8] =	vst v3  }
0x27b: {  	v38 =	vand.u32 $0xFFFF0000, v16;
	[tilespmem:s24+$0x16FB8] =	vst v7;
	v3 =	vld.idx.msk [tilespmem:v39+s28+$0x0], $0xffff  }
0x27c: {  	v2 =	vadd.s32 $0x5, v2;
	s26 =	sadd.s32 s12, s10;
	[tilespmem:s31+$0x0] =	vst v38;
	v0 =	vld.idx.msk [tilespmem:v36+s28+$0x0], $0xffff;
	v43 =	vshll.u32 v1, $0x10  }
0x27d: {  	s4 =	sadd.s32 $0x1B0B8, s29;
	s31 =	sadd.s32 s12, s0;
	v1 =	vand.u32 $0xFFFF0000, v1;
	[tilespmem:s26+$0x0] =	vst v43  }
0x27e: {  	s5 =	sadd.s32 $0x1B138, s29;
	s6 =	sadd.s32 s13, s4;
	v44 =	vshll.u32 v6, $0x10;
	[tilespmem:s31+$0x0] =	vst v1  }
0x27f: {  	s7 =	sadd.s32 s13, s5;
	v45 =	vand.u32 $0xFFFF0000, v6;
	[tilespmem:s6+$0x0] =	vst v44;
	v46 =	vld.idx.msk [tilespmem:v41+s28+$0x0], $0xffff  }
0x280: {  	v47 =	vadd.s32 $0x5, v18;
	s8 =	sadd.s32 s14, s10;
	s10 =	sor.u32 s21, s10;
	[tilespmem:s7+$0x0] =	vst v45;
	v50 =	vshll.u32 v3, $0x10  }
0x281: {  	v52 =	vld.idx.msk [tilespmem:v2+s28+$0x0], $0xffff;
	v48 =	vshll.u32 v0, $0x10;
	[tilespmem:s10+$0x0] =	vst v50  }
0x282: {  	v51 =	vadd.s32 $0x5, v4;
	v49 =	vld.idx.msk [tilespmem:v5+s28+$0x0], $0xffff;
	s9 =	sadd.s32 s14, s0;
	s0 =	sor.u32 s21, s0;
	v53 =	vand.u32 $0xFFFF0000, v3;
	[tilespmem:s8+$0x0] =	vst v48  }
0x283: {  	v0 =	vand.u32 $0xFFFF0000, v0;
	[tilespmem:s0+$0x0] =	vst v53  }
0x284: {  	s11 =	sadd.s32 s12, s4;
	[tilespmem:s9+$0x0] =	vst v0;
	v54 =	vshll.u32 v46, $0x10  }
0x285: {  	s12 =	sadd.s32 s12, s5;
	v56 =	vld.idx.msk [tilespmem:v47+s28+$0x0], $0xffff;
	v55 =	vand.u32 $0xFFFF0000, v46;
	[tilespmem:s11+$0x0] =	vst v54  }
0x286: {  	v59 =	vshll.u32 v52, $0x10;
	[tilespmem:s12+$0x0] =	vst v55  }
0x287: {  	v57 =	vshll.u32 v49, $0x10;
	v58 =	vld.idx.msk [tilespmem:v51+s28+$0x0], $0xffff;
	s0 =	rddreg [dreg:$0xf];
	[tilespmem:s17+$0x0] =	vst v59  }
0x288: {  	v0 =	vand.u32 $0xFFFF0000, v52;
	[tilespmem:s0+$0x0] =	vst v57  }
0x289: {  	v1 =	vand.u32 $0xFFFF0000, v49;
	[tilespmem:s30+$0x0] =	vst v0  }
0x28a: {  	s13 =	sadd.s32 s14, s4;
	v60 =	vshll.u32 v56, $0x10;
	[tilespmem:s20+$0x0] =	vst v1  }
0x28b: {  	s14 =	sadd.s32 s14, s5;
	v61 =	vand.u32 $0xFFFF0000, v56;
	[tilespmem:s13+$0x0] =	vst v60  }
0x28c: {  	s15 =	sor.u32 s21, s4;
	v62 =	vshll.u32 v58, $0x10;
	[tilespmem:s14+$0x0] =	vst v61  }
0x28d: {  	s16 =	sor.u32 s21, s5;
	v63 =	vand.u32 $0xFFFF0000, v58;
	s1 =	sld [smem:$0x7F4];
	[tilespmem:s15+$0x0] =	vst v62  }
0x28e: {  	[tilespmem:s16+$0x0] =	vst v63  }
0x28f: {  	s18 =	sld [smem:$0x7FB]  }
0x290: {  	s1 =	sshll.u32 s1, $0x8  }
0x291: {  	s3 =	simm.s32 $0x400000;
	s17 =	sand.u32 $0xFFFF800, s1  }
0x292: {  	s19 =	simm.s32 $0x16FB8;
	s2 =	simm.s32 $0x80;
	s0 =	sadd.s32 s17, s18  }
0x293: {  	[hbm4b:s0+s2] =	stream.strided.scatter [tilespmem:s19], [sflag:$0x3], $0x400, s3, s2, $0x38;
	[tilespmem:$0x1EFB8] =	vst v63  }
0x294: {  	s21 =	simm.s32 $0x173B8;
	s20 =	sadd.s32 $0x80, s0  }
0x295: {  	[hbm4b:s20+s2] =	stream.strided.scatter [tilespmem:s21], [sflag:$0x3], $0x400, s3, s2, $0x38;
	[tilespmem:$0x1EFB8] =	vst v63  }
0x296: {  	s23 =	simm.s32 $0x177B8;
	s22 =	sadd.s32 $0x100, s0  }
0x297: {  	[hbm4b:s22+s2] =	stream.strided.scatter [tilespmem:s23], [sflag:$0x3], $0x400, s3, s2, $0x38;
	[tilespmem:$0x1EFB8] =	vst v63  }
0x298: {  	s25 =	simm.s32 $0x17BB8;
	s24 =	sadd.s32 $0x180, s0  }
0x299: {  	[hbm4b:s24+s2] =	stream.strided.scatter [tilespmem:s25], [sflag:$0x3], $0x400, s3, s2, $0x38;
	[tilespmem:$0x1EFB8] =	vst v63  }
0x29a: {  	s29 =	simm.s32 $0x17FB8;
	s26 =	sadd.s32 $0x200, s0  }
0x29b: {  	[hbm4b:s26+s2] =	stream.strided.scatter [tilespmem:s29], [sflag:$0x3], $0x400, s3, s2, $0x38;
	[tilespmem:$0x1EFB8] =	vst v63  }
0x29c: {  	s31 =	simm.s32 $0x183B8;
	s30 =	sadd.s32 $0x280, s0  }
0x29d: {  	[hbm4b:s30+s2] =	stream.strided.scatter [tilespmem:s31], [sflag:$0x3], $0x400, s3, s2, $0x38;
	[tilespmem:$0x1EFB8] =	vst v63  }
0x29e: {  	s6 =	simm.s32 $0x187B8;
	s5 =	sadd.s32 $0x300, s0  }
0x29f: {  	[hbm4b:s5+s2] =	stream.strided.scatter [tilespmem:s6], [sflag:$0x3], $0x400, s3, s2, $0x38;
	[tilespmem:$0x1EFB8] =	vst v63  }
0x2a0: {  	s8 =	simm.s32 $0x18BB8;
	s7 =	sadd.s32 $0x380, s0  }
0x2a1: {  	[hbm4b:s7+s2] =	stream.strided.scatter [tilespmem:s8], [sflag:$0x3], $0x400, s3, s2, $0x38;
	[tilespmem:$0x1EFB8] =	vst v63  }
0x2a2: {  	s10 =	simm.s32 $0x18FB8;
	s9 =	sadd.s32 $0x400, s0  }
0x2a3: {  	[hbm4b:s9+s2] =	stream.strided.scatter [tilespmem:s10], [sflag:$0x3], $0x400, s3, s2, $0x38;
	[tilespmem:$0x1EFB8] =	vst v63  }
0x2a4: {  	s12 =	simm.s32 $0x193B8;
	s11 =	sadd.s32 $0x480, s0  }
0x2a5: {  	[hbm4b:s11+s2] =	stream.strided.scatter [tilespmem:s12], [sflag:$0x3], $0x400, s3, s2, $0x38;
	[tilespmem:$0x1EFB8] =	vst v63  }
0x2a6: {  	s14 =	simm.s32 $0x197B8;
	s13 =	sadd.s32 $0x500, s0  }
0x2a7: {  	[hbm4b:s13+s2] =	stream.strided.scatter [tilespmem:s14], [sflag:$0x3], $0x400, s3, s2, $0x38;
	[tilespmem:$0x1EFB8] =	vst v63  }
0x2a8: {  	s16 =	simm.s32 $0x19BB8;
	s15 =	sadd.s32 $0x580, s0  }
0x2a9: {  	[hbm4b:s15+s2] =	stream.strided.scatter [tilespmem:s16], [sflag:$0x3], $0x400, s3, s2, $0x38;
	[tilespmem:$0x1EFB8] =	vst v63  }
0x2aa: {  	s18 =	simm.s32 $0x19FB8;
	s17 =	sadd.s32 $0x600, s0  }
0x2ab: {  	[hbm4b:s17+s2] =	stream.strided.scatter [tilespmem:s18], [sflag:$0x3], $0x400, s3, s2, $0x38;
	[tilespmem:$0x1EFB8] =	vst v63  }
0x2ac: {  	s19 =	sadd.s32 $0x680, s0;
	s20 =	simm.s32 $0x1A3B8  }
0x2ad: {  	[hbm4b:s19+s2] =	stream.strided.scatter [tilespmem:s20], [sflag:$0x3], $0x400, s3, s2, $0x38;
	[tilespmem:$0x1EFB8] =	vst v63  }
0x2ae: {  	s21 =	sadd.s32 $0x700, s0;
	s22 =	simm.s32 $0x1A7B8  }
0x2af: {  	[hbm4b:s21+s2] =	stream.strided.scatter [tilespmem:s22], [sflag:$0x3], $0x400, s3, s2, $0x38;
	[tilespmem:$0x1EFB8] =	vst v63  }
0x2b0: {  	s23 =	sadd.s32 $0x780, s0;
	s24 =	simm.s32 $0x1ABB8  }
0x2b1: {  	[hbm4b:s23+s2] =	stream.strided.scatter [tilespmem:s24], [sflag:$0x3], $0x400, s3, s2, $0x38;
	[tilespmem:$0x1EFB8] =	vst v63  }
0x2b2: {  	s0 =	sadd.s32 $0x400000, s0;
	s25 =	simm.s32 $0x1AFB8  }
0x2b3: {  	[hbm4b:s0+s2] =	stream.strided.scatter [tilespmem:s25], [sflag:$0x3], $0x200, s3, s2, $0x38;
	[tilespmem:$0x1EFB8] =	vst v63  }
0x2b4: {  	s26 =	sadd.s32 $0x80, s0;
	s29 =	simm.s32 $0x1B3B8  }
0x2b5: {  	[hbm4b:s26+s2] =	stream.strided.scatter [tilespmem:s29], [sflag:$0x3], $0x200, s3, s2, $0x38;
	[tilespmem:$0x1EFB8] =	vst v63  }
0x2b6: {  	s30 =	sadd.s32 $0x100, s0;
	s31 =	simm.s32 $0x1B7B8  }
0x2b7: {  	[hbm4b:s30+s2] =	stream.strided.scatter [tilespmem:s31], [sflag:$0x3], $0x200, s3, s2, $0x38;
	[tilespmem:$0x1EFB8] =	vst v63  }
0x2b8: {  	s4 =	sadd.s32 $0x180, s0;
	s5 =	simm.s32 $0x1BBB8  }
0x2b9: {  	[hbm4b:s4+s2] =	stream.strided.scatter [tilespmem:s5], [sflag:$0x3], $0x200, s3, s2, $0x38;
	[tilespmem:$0x1EFB8] =	vst v63  }
0x2ba: {  	s6 =	sadd.s32 $0x200, s0;
	s7 =	simm.s32 $0x1BFB8  }
0x2bb: {  	[hbm4b:s6+s2] =	stream.strided.scatter [tilespmem:s7], [sflag:$0x3], $0x200, s3, s2, $0x38;
	[tilespmem:$0x1EFB8] =	vst v63  }
0x2bc: {  	s8 =	sadd.s32 $0x280, s0;
	s9 =	simm.s32 $0x1C3B8  }
0x2bd: {  	[hbm4b:s8+s2] =	stream.strided.scatter [tilespmem:s9], [sflag:$0x3], $0x200, s3, s2, $0x38;
	[tilespmem:$0x1EFB8] =	vst v63  }
0x2be: {  	s10 =	sadd.s32 $0x300, s0;
	s11 =	simm.s32 $0x1C7B8  }
0x2bf: {  	[hbm4b:s10+s2] =	stream.strided.scatter [tilespmem:s11], [sflag:$0x3], $0x200, s3, s2, $0x38;
	[tilespmem:$0x1EFB8] =	vst v63  }
0x2c0: {  	s12 =	sadd.s32 $0x380, s0;
	s13 =	simm.s32 $0x1CBB8  }
0x2c1: {  	[hbm4b:s12+s2] =	stream.strided.scatter [tilespmem:s13], [sflag:$0x3], $0x200, s3, s2, $0x38;
	[tilespmem:$0x1EFB8] =	vst v63  }
0x2c2: {  	s14 =	sadd.s32 $0x400, s0;
	s15 =	simm.s32 $0x1CFB8  }
0x2c3: {  	[hbm4b:s14+s2] =	stream.strided.scatter [tilespmem:s15], [sflag:$0x3], $0x200, s3, s2, $0x38;
	[tilespmem:$0x1EFB8] =	vst v63  }
0x2c4: {  	s16 =	sadd.s32 $0x480, s0;
	s17 =	simm.s32 $0x1D3B8  }
0x2c5: {  	[hbm4b:s16+s2] =	stream.strided.scatter [tilespmem:s17], [sflag:$0x3], $0x200, s3, s2, $0x38;
	[tilespmem:$0x1EFB8] =	vst v63  }
0x2c6: {  	s18 =	sadd.s32 $0x500, s0;
	s19 =	simm.s32 $0x1D7B8  }
0x2c7: {  	[hbm4b:s18+s2] =	stream.strided.scatter [tilespmem:s19], [sflag:$0x3], $0x200, s3, s2, $0x38;
	[tilespmem:$0x1EFB8] =	vst v63  }
0x2c8: {  	s20 =	sadd.s32 $0x580, s0;
	s21 =	simm.s32 $0x1DBB8  }
0x2c9: {  	[hbm4b:s20+s2] =	stream.strided.scatter [tilespmem:s21], [sflag:$0x3], $0x200, s3, s2, $0x38;
	[tilespmem:$0x1EFB8] =	vst v63  }
0x2ca: {  	s22 =	sadd.s32 $0x600, s0;
	s23 =	simm.s32 $0x1DFB8  }
0x2cb: {  	[hbm4b:s22+s2] =	stream.strided.scatter [tilespmem:s23], [sflag:$0x3], $0x200, s3, s2, $0x38;
	[tilespmem:$0x1EFB8] =	vst v63  }
0x2cc: {  	s24 =	sadd.s32 $0x680, s0;
	s25 =	simm.s32 $0x1E3B8  }
0x2cd: {  	[hbm4b:s24+s2] =	stream.strided.scatter [tilespmem:s25], [sflag:$0x3], $0x200, s3, s2, $0x38;
	[tilespmem:$0x1EFB8] =	vst v63  }
0x2ce: {  	s26 =	sadd.s32 $0x700, s0;
	s29 =	simm.s32 $0x1E7B8;
	s31 =	sld [smem:$0x7F7]  }
0x2cf: {  	[hbm4b:s26+s2] =	stream.strided.scatter [tilespmem:s29], [sflag:$0x3], $0x200, s3, s2, $0x38;
	[tilespmem:$0x1EFB8] =	vst v63  }
0x2d0: {  	s0 =	sadd.s32 $0x780, s0;
	s30 =	simm.s32 $0x1EBB8  }
0x2d1: {  	[hbm4b:s0+s2] =	stream.strided.scatter [tilespmem:s30], [sflag:$0x3], $0x200, s3, s2, $0x38;
	[tilespmem:$0x1EFB8] =	vst v63  }
0x2d2: {  	s2 =	sadd.s32 $0x1, s31  }
0x2d3: {  	p1 =	sne.s32 s2, $0x20  }
.Ltmp2:
0x2d4: {  	_ = 	snop;
	(pc) =	sbr.rel @p1 .LBB2_2-.Ltmp2, $1  }
0x2d5: {  	_ =	sdelay $0x3  }
0x2d6: {  	s0 =	simm.s32 $0x2  }
0x2d7: {  	_ =	swait.ge [sflag:s0], $0x6000  }
0x2d8: {  	[sflag:s0] =	ssyncset.done $0x0  }
0x2d9: {  	s1 =	simm.s32 $0x3;
	[sflag:s0] =	ssyncadd.s32 $0xFFFFA000  }
0x2da: {  	_ =	swait.ge [sflag:s1], $0x6000  }
0x2db: {  	s2 =	sld [smem:$0x7F9]  }
0x2dc: {  	s31 =	sld [smem:$0x7FC];
	_ =	sdelay $0x1  }
0x2dd: {  	s2 =	sadd.s32 $0x1, s2  }
0x2de: {  	p1 =	sne.s32 s2, s31  }
.Ltmp3:
0x2df: {  	_ = 	snop;
	(pc) =	sbr.rel @p1 .LBB2_1-.Ltmp3, $3  }
0x2e0: {  	_ =	sdelay $0x1  }
0x2e1: {  	[sflag:s1] =	ssyncset.done $0x0  }
0x2e2: {  	[sflag:s1] =	ssyncadd.s32 $0xFFFFA000  }
0x2e3: {  	_ =	sfence.sel $0x180000  }
0x2e4: {  	[bflag:$0x0] =	sbarrier.arrive $0xFFFF  }
0x2e5: {  	_ =	strace $0x90000047  }
0x2e6: {  	[bflag:$0x2] =	sbarrier.arrive $0xFFFF  }
0x2e7: {  	s0 =	rddreg [dreg:$0x7]  }
0x2e8: {  	s0 =	sadd.s32 @!p0 $0x100000, s0  }
0x2e9: {  	[sflag:s0] =	ssyncadd.tile.s32 @!p0 $0x1;
	_ =	shalt  }
.Lfunc_end2:
_tile_overlayer_lowered:
.L_overlay_start_2:
0x2ea: {  	(tag) =	ssettag $0x2  }
0x2eb: {  	s0 =	rddreg [dreg:$0x0];
	s2 =	stileid.u32  }
0x2ec: {  	s1 =	rddreg [dreg:$0x1];
	p0 =	sne.s32 s2, $0x0  }
0x2ed: {  	s3 =	rddreg [dreg:$0x2];
	[bflag:$0x3] =	sbarrier.arrive $0xFFFF;
	s2 =	simm.s32 @!p0 $0x1C04  }
0x2ee: {  	[timem:s3], [sflag:s2] =	dma.local @!p0 [hbm:s0], s1  }
0x2ef: {  	s0 =	simm.s32 @!p0 $0x4  }
0x2f0: {  	_ =	swait.ge @!p0 [sflag:s0], s1  }
0x2f1: {  	s1 =	ssub.s32 @!p0 $0x0, s1;
	[sflag:s0] =	ssyncset.done @!p0 $0x0  }
0x2f2: {  	[sflag:s0] =	ssyncadd.s32 @!p0 s1  }
0x2f3: {  	[bflag:$0x3] =	sbarrier.arrive $0xFFFF  }
0x2f4: {  	_ =	shalt  }

</sc_bundles>
